<compile_context>
chip_gen: v7x
topology: tpu7x:2x2x1
jax: 0.10.2.dev20260603
libtpu: 0.0.44.dev20260713+nightly
codegen_flags: <defaults>
</compile_context>

<pallas_src>
import functools

import jax
import jax.numpy as jnp
from jax import lax
from jax.experimental import pallas as pl
from jax.experimental.pallas import tpu as pltpu
from jax.experimental.pallas import tpu_sc as plsc

_NC = 2
_NS = 16
_NW = _NC * _NS
_CHUNK = 128
_LANES = 128
_NB = 2


def _mm1(x, w1, edge_index):
    n, d_in = x.shape
    d_hid = w1.shape[1]
    e = edge_index.shape[1]
    blk = 2000
    grid = n // blk
    eblk = e // grid

    def body(x_ref, w_ref, e_ref, o_ref, os_ref, od_ref):
        i = pl.program_id(0)
        res = jnp.dot(x_ref[...], w_ref[...],
                      preferred_element_type=jnp.float32)
        o_ref[...] = jnp.pad(res, ((0, 0), (0, _LANES - d_hid)))
        os_ref[pl.ds(i * eblk, eblk)] = e_ref[0]
        od_ref[pl.ds(i * eblk, eblk)] = e_ref[1]

    return pl.pallas_call(
        body,
        grid=(grid,),
        in_specs=[
            pl.BlockSpec((blk, d_in), lambda i: (i, 0)),
            pl.BlockSpec((d_in, d_hid), lambda i: (0, 0)),
            pl.BlockSpec((2, eblk), lambda i: (0, i)),
        ],
        out_specs=[
            pl.BlockSpec((blk, _LANES), lambda i: (i, 0)),
            pl.BlockSpec((e,), lambda i: (0,)),
            pl.BlockSpec((e,), lambda i: (0,)),
        ],
        out_shape=[
            jax.ShapeDtypeStruct((n, _LANES), jnp.float32),
            jax.ShapeDtypeStruct((e,), jnp.int32),
            jax.ShapeDtypeStruct((e,), jnp.int32),
        ],
    )(x, w1, edge_index)


def _sc_gather_scatter_add(src1d, dst1d, h, d_hid, stripe,
                           kbase, kextra, kmax):
    n = h.shape[0]
    h_stripe = n // _NS
    mesh = plsc.VectorSubcoreMesh(core_axis_name="c", subcore_axis_name="s")

    @functools.partial(
        pl.kernel,
        mesh=mesh,
        compiler_params=pltpu.CompilerParams(use_tc_tiling_on_sc=False),
        out_type=jax.ShapeDtypeStruct((_NC, n, _LANES), jnp.float32),
        scratch_types=[
            pltpu.VMEM((kmax * _CHUNK,), jnp.int32),
            pltpu.VMEM((kmax * _CHUNK,), jnp.int32),
            pltpu.VMEM((_NB, _CHUNK, d_hid), jnp.float32),
            pltpu.VMEM_SHARED((n, d_hid), jnp.float32),
            pltpu.VMEM_SHARED((_NS * (n // _NS), d_hid), jnp.float32),
        ] + [pltpu.SemaphoreType.DMA] * (2 * _NB),
    )
    def k(s_hbm, d_hbm, h_hbm, out_hbm,
          sidx, didx, rowsb, hsh, acc, *sems):
        gs = sems[:_NB]
        ss = sems[_NB:]
        c = lax.axis_index("c")
        s = lax.axis_index("s")
        g = c * _NS + s
        kw = kbase + jnp.where(g < kextra, 1, 0)
        cb = g * kbase + jnp.minimum(g, kextra)
        zn = rowsb.shape[1]

        @pl.loop(0, zn)
        def _(i):
            rowsb.at[0, i, pl.ds(0, 16)][...] = jnp.zeros((16,), jnp.float32)
            rowsb.at[0, i, pl.ds(16, 16)][...] = jnp.zeros((16,), jnp.float32)

        r = 0
        while r < stripe:
            nr = min(stripe - r, zn)
            pltpu.sync_copy(rowsb.at[0, pl.ds(0, nr)],
                            acc.at[pl.ds(s * stripe + r, nr)])
            r += nr
        pltpu.sync_copy(h_hbm.at[pl.ds(s * h_stripe, h_stripe), pl.ds(0, d_hid)],
                        hsh.at[pl.ds(s * h_stripe, h_stripe)])
        pltpu.sync_copy(s_hbm.at[pl.ds(cb * _CHUNK, kbase * _CHUNK)],
                        sidx.at[pl.ds(0, kbase * _CHUNK)])
        pltpu.sync_copy(d_hbm.at[pl.ds(cb * _CHUNK, kbase * _CHUNK)],
                        didx.at[pl.ds(0, kbase * _CHUNK)])

        @pl.when(g < kextra)
        def _():
            pltpu.sync_copy(s_hbm.at[pl.ds((cb + kbase) * _CHUNK, _CHUNK)],
                            sidx.at[pl.ds(kbase * _CHUNK, _CHUNK)])
            pltpu.sync_copy(d_hbm.at[pl.ds((cb + kbase) * _CHUNK, _CHUNK)],
                            didx.at[pl.ds(kbase * _CHUNK, _CHUNK)])

        plsc.subcore_barrier()

        for b in range(_NB):
            @pl.when(b < kw)
            def _(b=b):
                pltpu.async_copy(hsh.at[sidx.at[pl.ds(b * _CHUNK, _CHUNK)]],
                                 rowsb.at[b], gs[b])

        @pl.loop(0, kw, step=_NB)
        def _(j):
            for b in range(_NB):
                @pl.when(j + b < kw)
                def _(b=b):
                    pltpu.make_async_copy(
                        hsh.at[sidx.at[pl.ds((j + b) * _CHUNK, _CHUNK)]],
                        rowsb.at[b], gs[b]).wait()
                    pltpu.async_copy(rowsb.at[b], acc.at[didx.at[pl.ds((j + b) * _CHUNK, _CHUNK)]],
                                     ss[b], add=True)
            for b in range(_NB):
                @pl.when(j + b + _NB < kw)
                def _(b=b):
                    pltpu.make_async_copy(rowsb.at[b], acc.at[didx.at[pl.ds((j + b) * _CHUNK, _CHUNK)]],
                                          ss[b]).wait()
                    pltpu.async_copy(
                        hsh.at[sidx.at[pl.ds((j + b + _NB) * _CHUNK, _CHUNK)]],
                        rowsb.at[b], gs[b])

        for b in range(_NB):
            pltpu.make_async_copy(rowsb.at[b], acc.at[didx.at[pl.ds(0, _CHUNK)]], ss[b]).wait()

        plsc.subcore_barrier()
        pltpu.sync_copy(acc.at[pl.ds(s * stripe, stripe)],
                        out_hbm.at[c, pl.ds(s * stripe, stripe), pl.ds(0, d_hid)])

    return k(src1d, dst1d, h)


def _tc2(part, b1r, w2, n, d_hid):
    d_out = w2.shape[1]
    blk = 2000
    grid = n // blk

    def body(p0_ref, p1_ref, b_ref, w_ref, h1_ref, h2_ref):
        acc = (p0_ref[0, :, :d_hid] + p1_ref[0, :, :d_hid]) + b_ref[...]
        h1_ref[...] = acc
        h2_ref[...] = jnp.dot(acc, w_ref[...],
                              preferred_element_type=jnp.float32)

    return pl.pallas_call(
        body,
        grid=(grid,),
        in_specs=[
            pl.BlockSpec((1, blk, _LANES), lambda i: (0, i, 0)),
            pl.BlockSpec((1, blk, _LANES), lambda i: (1, i, 0)),
            pl.BlockSpec((1, d_hid), lambda i: (0, 0)),
            pl.BlockSpec((d_hid, d_out), lambda i: (0, 0)),
        ],
        out_specs=[
            pl.BlockSpec((blk, d_hid), lambda i: (i, 0)),
            pl.BlockSpec((blk, d_out), lambda i: (i, 0)),
        ],
        out_shape=[
            jax.ShapeDtypeStruct((n, d_hid), jnp.float32),
            jax.ShapeDtypeStruct((n, d_out), jnp.float32),
        ],
    )(part, part, b1r, w2)


def kernel(x, edge_index, W1, b1, W2):
    n, d_hid = x.shape[0], W1.shape[1]
    e = edge_index.shape[1]

    total_chunks = e // _CHUNK
    kbase = total_chunks // _NW
    kextra = total_chunks % _NW
    kmax = kbase + (1 if kextra else 0)
    stripe = n // _NS

    h, src1d, dst1d = _mm1(x, W1, edge_index)
    part = _sc_gather_scatter_add(src1d, dst1d, h, d_hid,
                                  stripe, kbase, kextra, kmax)
    h1, h2 = _tc2(part, b1.reshape(1, d_hid), W2, n, d_hid)
    return (h1, h2)

# --- scband reference (transcript-rebuilt; emitter-appended) ---
"""Pipeline reference for scband-gcn-mlp-model-29051158790850 (READ-ONLY COPY).

The authoritative reference and input builder live on the scoring server;
editing this copy changes nothing except your own understanding.
"""

import jax, jax.numpy as jnp
import numpy as np

N = 10000
E = 320000
D_IN = 128
D_HID = 32
D_OUT = 128


def setup_inputs(seed: int = 0) -> dict:
    key = jax.random.key(seed)
    k1, k2, k3, k4 = jax.random.split(key, 4)
    x = jax.random.normal(k1, (N, D_IN), dtype=jnp.float32)
    edge_index = jax.random.randint(k2, (2, E), 0, N, dtype=jnp.int32)
    # GCNConv(in_channels=128, out_channels=32, normalize=False): lin weight + bias
    W1 = jax.random.normal(k3, (D_IN, D_HID), dtype=jnp.float32) * (1.0 / np.sqrt(D_IN))
    b1 = jnp.zeros((D_HID,), dtype=jnp.float32)
    # Linear(hidden_dimension=32, out_channels=128, bias=False)
    W2 = jax.random.normal(k4, (D_HID, D_OUT), dtype=jnp.float32) * (1.0 / np.sqrt(D_HID))
    return {"x": x, "edge_index": edge_index, "W1": W1, "b1": b1, "W2": W2}


def reference(x, edge_index, W1, b1, W2):
    # Layer 0: GCNConv with normalize=False -> no gcn_norm, no self loops,
    # edge_weight=None, so message = x_j, aggregation = scatter-add at dst.
    src = edge_index[0]
    dst = edge_index[1]
    h = x @ W1  # linear transform first (PyG GCNConv order)
    msgs = jnp.take(h, src, axis=0)  # gather source node features
    agg = jax.ops.segment_sum(msgs, dst, num_segments=N)  # scatter-add to dst
    h1 = agg + b1
    # Layer 1: Linear(hidden -> out, bias=False)
    h2 = h1 @ W2
    # forward returns list of per-layer outputs
    return (h1, h2)

if __name__ == "__main__":
    import jax
    _d = setup_inputs()
    print(jax.jit(kernel)(*tuple(_d.values())))

</pallas_src>

<mosaic_0001>
#map = affine_map<(d0, d1) -> (0)>
#map1 = affine_map<(d0, d1) -> (0, 0)>
#map2 = affine_map<(d0, d1) -> (0, 0, 0)>
module attributes {stable_mosaic.version = 14 : i64} {
  func.func @k(%arg0: i32, %arg1: i32, %arg2: memref<320000xi32, #tpu.memory_space<hbm>>, %arg3: memref<320000xi32, #tpu.memory_space<hbm>>, %arg4: memref<10000x128xf32, #tpu.memory_space<hbm>>, %arg5: memref<2x10000x128xf32, #tpu.memory_space<hbm>>, %arg6: memref<10112xi32, #tpu.memory_space<vmem>>, %arg7: memref<10112xi32, #tpu.memory_space<vmem>>, %arg8: memref<2x128x32xf32, #tpu.memory_space<vmem>>, %arg9: memref<10000x32xf32, #tpu.memory_space<vmem_shared>>, %arg10: memref<10000x32xf32, #tpu.memory_space<vmem_shared>>, %arg11: memref<!tpu.dma_semaphore, #tpu.memory_space<semaphore_mem>>, %arg12: memref<!tpu.dma_semaphore, #tpu.memory_space<semaphore_mem>>, %arg13: memref<!tpu.dma_semaphore, #tpu.memory_space<semaphore_mem>>, %arg14: memref<!tpu.dma_semaphore, #tpu.memory_space<semaphore_mem>>) attributes {dimension_semantics = [#tpu.dimension_semantics<core_parallel>, #tpu.dimension_semantics<subcore_parallel>], iteration_bounds = array<i64: 2, 16>, scalar_prefetch = 0 : i64, scratch_operands = 9 : i64, tpu.core_type = #tpu.core_type<sc_vector_subcore>, window_params = [{transform_indices = #map}, {transform_indices = #map}, {transform_indices = #map1}, {transform_indices = #map2}]} {
    %mul3A = arith.constant 16 : i32
    %mul3A_0 = arith.muli %arg0, %mul3A : i32
    %add3A = arith.addi %mul3A_0, %arg1 : i32
    %lt3A = arith.constant 4 : i32
    %lt3A_1 = arith.cmpi slt, %add3A, %lt3A : i32
    %jit3A = arith.constant 1 : i32
    %jit3A_2 = arith.constant 0 : i32
    %select_n3A = arith.select %lt3A_1, %jit3A, %jit3A_2 : i32
    %add3A_3 = arith.constant 78 : i32
    %add3A_4 = arith.addi %add3A_3, %select_n3A : i32
    %mul3A_5 = arith.constant 78 : i32
    %mul3A_6 = arith.muli %add3A, %mul3A_5 : i32
    %min3A = arith.constant 4 : i32
    %min3A_7 = arith.minsi %add3A, %min3A : i32
    %add3A_8 = arith.addi %mul3A_6, %min3A_7 : i32
    %scan3A = arith.constant 0 : i32
    %scan3A_9 = arith.constant 128 : i32
    %scan3A_10 = arith.addi %scan3A, %scan3A_9 : i32
    %scan3A_11 = arith.constant 1 : i32
    scf.for %scan3A_97 = %scan3A to %scan3A_10 step %scan3A_11  : i32 {
      %mul3A_98 = arith.constant 1 : i32
      %mul3A_99 = arith.muli %scan3A_97, %mul3A_98 : i32
      %add3A_100 = arith.constant 0 : i32
      %add3A_101 = arith.addi %add3A_100, %mul3A_99 : i32
      %broadcast_in_dim3A = arith.constant 0.000000e+00 : f32
      %broadcast_in_dim3A_102 = vector.broadcast %broadcast_in_dim3A : f32 to vector<16xf32>
      %swap3A = arith.constant 0 : i32
      %swap3A_103 = arith.index_cast %swap3A : i32 to index
      %swap3A_104 = arith.index_cast %add3A_101 : i32 to index
      %swap3A_105 = arith.constant 0 : index
      %swap3A_106 = tpu.vector_load %arg8[%swap3A_103, %swap3A_104, %swap3A_105] {strides = array<i32>} : memref<2x128x32xf32, #tpu.memory_space<vmem>>, vector<1x1x16xf32>,
      %swap3A_107 = vector.shape_cast %swap3A_106 : vector<1x1x16xf32> to vector<16xf32>
      %swap3A_108 = vector.shape_cast %broadcast_in_dim3A_102 : vector<16xf32> to vector<1x1x16xf32>
      tpu.vector_store %arg8[%swap3A_103, %swap3A_104, %swap3A_105], %swap3A_108 {strides = array<i32>} : memref<2x128x32xf32, #tpu.memory_space<vmem>>, vector<1x1x16xf32>,
      %broadcast_in_dim3A_109 = arith.constant 0.000000e+00 : f32
      %broadcast_in_dim3A_110 = vector.broadcast %broadcast_in_dim3A_109 : f32 to vector<16xf32>
      %swap3A_111 = arith.constant 0 : i32
      %swap3A_112 = arith.index_cast %swap3A_111 : i32 to index
      %swap3A_113 = arith.index_cast %add3A_101 : i32 to index
      %swap3A_114 = arith.constant 16 : index
      %swap3A_115 = tpu.vector_load %arg8[%swap3A_112, %swap3A_113, %swap3A_114] {strides = array<i32>} : memref<2x128x32xf32, #tpu.memory_space<vmem>>, vector<1x1x16xf32>,
      %swap3A_116 = vector.shape_cast %swap3A_115 : vector<1x1x16xf32> to vector<16xf32>
      %swap3A_117 = vector.shape_cast %broadcast_in_dim3A_110 : vector<16xf32> to vector<1x1x16xf32>
      tpu.vector_store %arg8[%swap3A_112, %swap3A_113, %swap3A_114], %swap3A_117 {strides = array<i32>} : memref<2x128x32xf32, #tpu.memory_space<vmem>>, vector<1x1x16xf32>,
    }
    %scan3A_12 = arith.constant 128 : i32
    %mul3A_13 = arith.constant 625 : i32
    %mul3A_14 = arith.muli %arg1, %mul3A_13 : i32
    %add3A_15 = arith.constant 0 : i32
    %add3A_16 = arith.addi %mul3A_14, %add3A_15 : i32
    %run_scoped3A = arith.constant 0 : i32
    "tpu.region"() ({
      %run_scoped3A_97 = tpu.sem_alloc : memref<!tpu.dma_semaphore, #tpu.memory_space<semaphore_mem>>
      %dma_start3A = arith.constant 0 : i32
      %dma_start3A_98 = arith.constant 0 : i32
      %dma_start3A_99 = tpu.memref_slice %arg8[%run_scoped3A, %dma_start3A, %dma_start3A_98] : memref<2x128x32xf32, #tpu.memory_space<vmem>> -> memref<1x128x32xf32, #tpu.memory_space<vmem>>
      %dma_start3A_100 = tpu.memref_squeeze %dma_start3A_99 : memref<1x128x32xf32, #tpu.memory_space<vmem>> -> memref<128x32xf32, #tpu.memory_space<vmem>>
      %dma_start3A_101 = arith.constant 0 : i32
      %dma_start3A_102 = tpu.memref_slice %arg10[%add3A_16, %dma_start3A_101] : memref<10000x32xf32, #tpu.memory_space<vmem_shared>> -> memref<128x32xf32, #tpu.memory_space<vmem_shared>>
      %dma_start3A_103 = arith.constant 0 : i32
      %dma_start3A_104 = tpu.memref_slice %arg10[%add3A_16, %dma_start3A_103] : memref<10000x32xf32, #tpu.memory_space<vmem_shared>> -> memref<128x32xf32, #tpu.memory_space<vmem_shared>>
      %dma_start3A_105 = arith.constant 0 : i32
      %dma_start3A_106 = arith.constant 0 : i32
      %dma_start3A_107 = tpu.memref_slice %arg8[%run_scoped3A, %dma_start3A_105, %dma_start3A_106] : memref<2x128x32xf32, #tpu.memory_space<vmem>> -> memref<1x128x32xf32, #tpu.memory_space<vmem>>
      %dma_start3A_108 = tpu.memref_squeeze %dma_start3A_107 : memref<1x128x32xf32, #tpu.memory_space<vmem>> -> memref<128x32xf32, #tpu.memory_space<vmem>>
      tpu.enqueue_dma source(%dma_start3A_108 : memref<128x32xf32, #tpu.memory_space<vmem>>) target(%dma_start3A_104 : memref<128x32xf32, #tpu.memory_space<vmem_shared>>) target_semaphore(%run_scoped3A_97 : memref<!tpu.dma_semaphore, #tpu.memory_space<semaphore_mem>>)
      %dma_wait3A_109 = arith.constant 0 : i32
      %dma_wait3A_110 = arith.constant 0 : i32
      %dma_wait3A_111 = tpu.memref_slice %arg8[%run_scoped3A, %dma_wait3A_109, %dma_wait3A_110] : memref<2x128x32xf32, #tpu.memory_space<vmem>> -> memref<1x128x32xf32, #tpu.memory_space<vmem>>
      %dma_wait3A_112 = tpu.memref_squeeze %dma_wait3A_111 : memref<1x128x32xf32, #tpu.memory_space<vmem>> -> memref<128x32xf32, #tpu.memory_space<vmem>>
      %dma_wait3A_113 = arith.constant 0 : i32
      %dma_wait3A_114 = tpu.memref_slice %arg10[%add3A_16, %dma_wait3A_113] : memref<10000x32xf32, #tpu.memory_space<vmem_shared>> -> memref<128x32xf32, #tpu.memory_space<vmem_shared>>
      %dma_wait3A_115 = arith.constant 0 : i32
      %dma_wait3A_116 = tpu.memref_slice %arg10[%add3A_16, %dma_wait3A_115] : memref<10000x32xf32, #tpu.memory_space<vmem_shared>> -> memref<128x32xf32, #tpu.memory_space<vmem_shared>>
      %dma_wait3A_117 = arith.constant 0 : i32
      %dma_wait3A_118 = arith.constant 0 : i32
      %dma_wait3A_119 = tpu.memref_slice %arg8[%run_scoped3A, %dma_wait3A_117, %dma_wait3A_118] : memref<2x128x32xf32, #tpu.memory_space<vmem>> -> memref<1x128x32xf32, #tpu.memory_space<vmem>>
      %dma_wait3A_120 = tpu.memref_squeeze %dma_wait3A_119 : memref<1x128x32xf32, #tpu.memory_space<vmem>> -> memref<128x32xf32, #tpu.memory_space<vmem>>
      tpu.wait_dma2 semaphore(%run_scoped3A_97 : memref<!tpu.dma_semaphore, #tpu.memory_space<semaphore_mem>>) src(%dma_wait3A_120 : memref<128x32xf32, #tpu.memory_space<vmem>>) dst(%dma_wait3A_116 : memref<128x32xf32, #tpu.memory_space<vmem_shared>>)
      tpu.yield
    }) : () -> ()
    %mul3A_17 = arith.constant 625 : i32
    %mul3A_18 = arith.muli %arg1, %mul3A_17 : i32
    %add3A_19 = arith.constant 128 : i32
    %add3A_20 = arith.addi %mul3A_18, %add3A_19 : i32
    %run_scoped3A_21 = arith.constant 0 : i32
    "tpu.region"() ({
      %run_scoped3A_97 = tpu.sem_alloc : memref<!tpu.dma_semaphore, #tpu.memory_space<semaphore_mem>>
      %dma_start3A = arith.constant 0 : i32
      %dma_start3A_98 = arith.constant 0 : i32
      %dma_start3A_99 = tpu.memref_slice %arg8[%run_scoped3A_21, %dma_start3A, %dma_start3A_98] : memref<2x128x32xf32, #tpu.memory_space<vmem>> -> memref<1x128x32xf32, #tpu.memory_space<vmem>>
      %dma_start3A_100 = tpu.memref_squeeze %dma_start3A_99 : memref<1x128x32xf32, #tpu.memory_space<vmem>> -> memref<128x32xf32, #tpu.memory_space<vmem>>
      %dma_start3A_101 = arith.constant 0 : i32
      %dma_start3A_102 = tpu.memref_slice %arg10[%add3A_20, %dma_start3A_101] : memref<10000x32xf32, #tpu.memory_space<vmem_shared>> -> memref<128x32xf32, #tpu.memory_space<vmem_shared>>
      %dma_start3A_103 = arith.constant 0 : i32
      %dma_start3A_104 = tpu.memref_slice %arg10[%add3A_20, %dma_start3A_103] : memref<10000x32xf32, #tpu.memory_space<vmem_shared>> -> memref<128x32xf32, #tpu.memory_space<vmem_shared>>
      %dma_start3A_105 = arith.constant 0 : i32
      %dma_start3A_106 = arith.constant 0 : i32
      %dma_start3A_107 = tpu.memref_slice %arg8[%run_scoped3A_21, %dma_start3A_105, %dma_start3A_106] : memref<2x128x32xf32, #tpu.memory_space<vmem>> -> memref<1x128x32xf32, #tpu.memory_space<vmem>>
      %dma_start3A_108 = tpu.memref_squeeze %dma_start3A_107 : memref<1x128x32xf32, #tpu.memory_space<vmem>> -> memref<128x32xf32, #tpu.memory_space<vmem>>
      tpu.enqueue_dma source(%dma_start3A_108 : memref<128x32xf32, #tpu.memory_space<vmem>>) target(%dma_start3A_104 : memref<128x32xf32, #tpu.memory_space<vmem_shared>>) target_semaphore(%run_scoped3A_97 : memref<!tpu.dma_semaphore, #tpu.memory_space<semaphore_mem>>)
      %dma_wait3A_109 = arith.constant 0 : i32
      %dma_wait3A_110 = arith.constant 0 : i32
      %dma_wait3A_111 = tpu.memref_slice %arg8[%run_scoped3A_21, %dma_wait3A_109, %dma_wait3A_110] : memref<2x128x32xf32, #tpu.memory_space<vmem>> -> memref<1x128x32xf32, #tpu.memory_space<vmem>>
      %dma_wait3A_112 = tpu.memref_squeeze %dma_wait3A_111 : memref<1x128x32xf32, #tpu.memory_space<vmem>> -> memref<128x32xf32, #tpu.memory_space<vmem>>
      %dma_wait3A_113 = arith.constant 0 : i32
      %dma_wait3A_114 = tpu.memref_slice %arg10[%add3A_20, %dma_wait3A_113] : memref<10000x32xf32, #tpu.memory_space<vmem_shared>> -> memref<128x32xf32, #tpu.memory_space<vmem_shared>>
      %dma_wait3A_115 = arith.constant 0 : i32
      %dma_wait3A_116 = tpu.memref_slice %arg10[%add3A_20, %dma_wait3A_115] : memref<10000x32xf32, #tpu.memory_space<vmem_shared>> -> memref<128x32xf32, #tpu.memory_space<vmem_shared>>
      %dma_wait3A_117 = arith.constant 0 : i32
      %dma_wait3A_118 = arith.constant 0 : i32
      %dma_wait3A_119 = tpu.memref_slice %arg8[%run_scoped3A_21, %dma_wait3A_117, %dma_wait3A_118] : memref<2x128x32xf32, #tpu.memory_space<vmem>> -> memref<1x128x32xf32, #tpu.memory_space<vmem>>
      %dma_wait3A_120 = tpu.memref_squeeze %dma_wait3A_119 : memref<1x128x32xf32, #tpu.memory_space<vmem>> -> memref<128x32xf32, #tpu.memory_space<vmem>>
      tpu.wait_dma2 semaphore(%run_scoped3A_97 : memref<!tpu.dma_semaphore, #tpu.memory_space<semaphore_mem>>) src(%dma_wait3A_120 : memref<128x32xf32, #tpu.memory_space<vmem>>) dst(%dma_wait3A_116 : memref<128x32xf32, #tpu.memory_space<vmem_shared>>)
      tpu.yield
    }) : () -> ()
    %mul3A_22 = arith.constant 625 : i32
    %mul3A_23 = arith.muli %arg1, %mul3A_22 : i32
    %add3A_24 = arith.constant 256 : i32
    %add3A_25 = arith.addi %mul3A_23, %add3A_24 : i32
    %run_scoped3A_26 = arith.constant 0 : i32
    "tpu.region"() ({
      %run_scoped3A_97 = tpu.sem_alloc : memref<!tpu.dma_semaphore, #tpu.memory_space<semaphore_mem>>
      %dma_start3A = arith.constant 0 : i32
      %dma_start3A_98 = arith.constant 0 : i32
      %dma_start3A_99 = tpu.memref_slice %arg8[%run_scoped3A_26, %dma_start3A, %dma_start3A_98] : memref<2x128x32xf32, #tpu.memory_space<vmem>> -> memref<1x128x32xf32, #tpu.memory_space<vmem>>
      %dma_start3A_100 = tpu.memref_squeeze %dma_start3A_99 : memref<1x128x32xf32, #tpu.memory_space<vmem>> -> memref<128x32xf32, #tpu.memory_space<vmem>>
      %dma_start3A_101 = arith.constant 0 : i32
      %dma_start3A_102 = tpu.memref_slice %arg10[%add3A_25, %dma_start3A_101] : memref<10000x32xf32, #tpu.memory_space<vmem_shared>> -> memref<128x32xf32, #tpu.memory_space<vmem_shared>>
      %dma_start3A_103 = arith.constant 0 : i32
      %dma_start3A_104 = tpu.memref_slice %arg10[%add3A_25, %dma_start3A_103] : memref<10000x32xf32, #tpu.memory_space<vmem_shared>> -> memref<128x32xf32, #tpu.memory_space<vmem_shared>>
      %dma_start3A_105 = arith.constant 0 : i32
      %dma_start3A_106 = arith.constant 0 : i32
      %dma_start3A_107 = tpu.memref_slice %arg8[%run_scoped3A_26, %dma_start3A_105, %dma_start3A_106] : memref<2x128x32xf32, #tpu.memory_space<vmem>> -> memref<1x128x32xf32, #tpu.memory_space<vmem>>
      %dma_start3A_108 = tpu.memref_squeeze %dma_start3A_107 : memref<1x128x32xf32, #tpu.memory_space<vmem>> -> memref<128x32xf32, #tpu.memory_space<vmem>>
      tpu.enqueue_dma source(%dma_start3A_108 : memref<128x32xf32, #tpu.memory_space<vmem>>) target(%dma_start3A_104 : memref<128x32xf32, #tpu.memory_space<vmem_shared>>) target_semaphore(%run_scoped3A_97 : memref<!tpu.dma_semaphore, #tpu.memory_space<semaphore_mem>>)
      %dma_wait3A_109 = arith.constant 0 : i32
      %dma_wait3A_110 = arith.constant 0 : i32
      %dma_wait3A_111 = tpu.memref_slice %arg8[%run_scoped3A_26, %dma_wait3A_109, %dma_wait3A_110] : memref<2x128x32xf32, #tpu.memory_space<vmem>> -> memref<1x128x32xf32, #tpu.memory_space<vmem>>
      %dma_wait3A_112 = tpu.memref_squeeze %dma_wait3A_111 : memref<1x128x32xf32, #tpu.memory_space<vmem>> -> memref<128x32xf32, #tpu.memory_space<vmem>>
      %dma_wait3A_113 = arith.constant 0 : i32
      %dma_wait3A_114 = tpu.memref_slice %arg10[%add3A_25, %dma_wait3A_113] : memref<10000x32xf32, #tpu.memory_space<vmem_shared>> -> memref<128x32xf32, #tpu.memory_space<vmem_shared>>
      %dma_wait3A_115 = arith.constant 0 : i32
      %dma_wait3A_116 = tpu.memref_slice %arg10[%add3A_25, %dma_wait3A_115] : memref<10000x32xf32, #tpu.memory_space<vmem_shared>> -> memref<128x32xf32, #tpu.memory_space<vmem_shared>>
      %dma_wait3A_117 = arith.constant 0 : i32
      %dma_wait3A_118 = arith.constant 0 : i32
      %dma_wait3A_119 = tpu.memref_slice %arg8[%run_scoped3A_26, %dma_wait3A_117, %dma_wait3A_118] : memref<2x128x32xf32, #tpu.memory_space<vmem>> -> memref<1x128x32xf32, #tpu.memory_space<vmem>>
      %dma_wait3A_120 = tpu.memref_squeeze %dma_wait3A_119 : memref<1x128x32xf32, #tpu.memory_space<vmem>> -> memref<128x32xf32, #tpu.memory_space<vmem>>
      tpu.wait_dma2 semaphore(%run_scoped3A_97 : memref<!tpu.dma_semaphore, #tpu.memory_space<semaphore_mem>>) src(%dma_wait3A_120 : memref<128x32xf32, #tpu.memory_space<vmem>>) dst(%dma_wait3A_116 : memref<128x32xf32, #tpu.memory_space<vmem_shared>>)
      tpu.yield
    }) : () -> ()
    %mul3A_27 = arith.constant 625 : i32
    %mul3A_28 = arith.muli %arg1, %mul3A_27 : i32
    %add3A_29 = arith.constant 384 : i32
    %add3A_30 = arith.addi %mul3A_28, %add3A_29 : i32
    %run_scoped3A_31 = arith.constant 0 : i32
    "tpu.region"() ({
      %run_scoped3A_97 = tpu.sem_alloc : memref<!tpu.dma_semaphore, #tpu.memory_space<semaphore_mem>>
      %dma_start3A = arith.constant 0 : i32
      %dma_start3A_98 = arith.constant 0 : i32
      %dma_start3A_99 = tpu.memref_slice %arg8[%run_scoped3A_31, %dma_start3A, %dma_start3A_98] : memref<2x128x32xf32, #tpu.memory_space<vmem>> -> memref<1x128x32xf32, #tpu.memory_space<vmem>>
      %dma_start3A_100 = tpu.memref_squeeze %dma_start3A_99 : memref<1x128x32xf32, #tpu.memory_space<vmem>> -> memref<128x32xf32, #tpu.memory_space<vmem>>
      %dma_start3A_101 = arith.constant 0 : i32
      %dma_start3A_102 = tpu.memref_slice %arg10[%add3A_30, %dma_start3A_101] : memref<10000x32xf32, #tpu.memory_space<vmem_shared>> -> memref<128x32xf32, #tpu.memory_space<vmem_shared>>
      %dma_start3A_103 = arith.constant 0 : i32
      %dma_start3A_104 = tpu.memref_slice %arg10[%add3A_30, %dma_start3A_103] : memref<10000x32xf32, #tpu.memory_space<vmem_shared>> -> memref<128x32xf32, #tpu.memory_space<vmem_shared>>
      %dma_start3A_105 = arith.constant 0 : i32
      %dma_start3A_106 = arith.constant 0 : i32
      %dma_start3A_107 = tpu.memref_slice %arg8[%run_scoped3A_31, %dma_start3A_105, %dma_start3A_106] : memref<2x128x32xf32, #tpu.memory_space<vmem>> -> memref<1x128x32xf32, #tpu.memory_space<vmem>>
      %dma_start3A_108 = tpu.memref_squeeze %dma_start3A_107 : memref<1x128x32xf32, #tpu.memory_space<vmem>> -> memref<128x32xf32, #tpu.memory_space<vmem>>
      tpu.enqueue_dma source(%dma_start3A_108 : memref<128x32xf32, #tpu.memory_space<vmem>>) target(%dma_start3A_104 : memref<128x32xf32, #tpu.memory_space<vmem_shared>>) target_semaphore(%run_scoped3A_97 : memref<!tpu.dma_semaphore, #tpu.memory_space<semaphore_mem>>)
      %dma_wait3A_109 = arith.constant 0 : i32
      %dma_wait3A_110 = arith.constant 0 : i32
      %dma_wait3A_111 = tpu.memref_slice %arg8[%run_scoped3A_31, %dma_wait3A_109, %dma_wait3A_110] : memref<2x128x32xf32, #tpu.memory_space<vmem>> -> memref<1x128x32xf32, #tpu.memory_space<vmem>>
      %dma_wait3A_112 = tpu.memref_squeeze %dma_wait3A_111 : memref<1x128x32xf32, #tpu.memory_space<vmem>> -> memref<128x32xf32, #tpu.memory_space<vmem>>
      %dma_wait3A_113 = arith.constant 0 : i32
      %dma_wait3A_114 = tpu.memref_slice %arg10[%add3A_30, %dma_wait3A_113] : memref<10000x32xf32, #tpu.memory_space<vmem_shared>> -> memref<128x32xf32, #tpu.memory_space<vmem_shared>>
      %dma_wait3A_115 = arith.constant 0 : i32
      %dma_wait3A_116 = tpu.memref_slice %arg10[%add3A_30, %dma_wait3A_115] : memref<10000x32xf32, #tpu.memory_space<vmem_shared>> -> memref<128x32xf32, #tpu.memory_space<vmem_shared>>
      %dma_wait3A_117 = arith.constant 0 : i32
      %dma_wait3A_118 = arith.constant 0 : i32
      %dma_wait3A_119 = tpu.memref_slice %arg8[%run_scoped3A_31, %dma_wait3A_117, %dma_wait3A_118] : memref<2x128x32xf32, #tpu.memory_space<vmem>> -> memref<1x128x32xf32, #tpu.memory_space<vmem>>
      %dma_wait3A_120 = tpu.memref_squeeze %dma_wait3A_119 : memref<1x128x32xf32, #tpu.memory_space<vmem>> -> memref<128x32xf32, #tpu.memory_space<vmem>>
      tpu.wait_dma2 semaphore(%run_scoped3A_97 : memref<!tpu.dma_semaphore, #tpu.memory_space<semaphore_mem>>) src(%dma_wait3A_120 : memref<128x32xf32, #tpu.memory_space<vmem>>) dst(%dma_wait3A_116 : memref<128x32xf32, #tpu.memory_space<vmem_shared>>)
      tpu.yield
    }) : () -> ()
    %mul3A_32 = arith.constant 625 : i32
    %mul3A_33 = arith.muli %arg1, %mul3A_32 : i32
    %add3A_34 = arith.constant 512 : i32
    %add3A_35 = arith.addi %mul3A_33, %add3A_34 : i32
    %run_scoped3A_36 = arith.constant 0 : i32
    "tpu.region"() ({
      %run_scoped3A_97 = tpu.sem_alloc : memref<!tpu.dma_semaphore, #tpu.memory_space<semaphore_mem>>
      %dma_start3A = arith.constant 0 : i32
      %dma_start3A_98 = arith.constant 0 : i32
      %dma_start3A_99 = tpu.memref_slice %arg8[%run_scoped3A_36, %dma_start3A, %dma_start3A_98] : memref<2x128x32xf32, #tpu.memory_space<vmem>> -> memref<1x113x32xf32, #tpu.memory_space<vmem>>
      %dma_start3A_100 = tpu.memref_squeeze %dma_start3A_99 : memref<1x113x32xf32, #tpu.memory_space<vmem>> -> memref<113x32xf32, #tpu.memory_space<vmem>>
      %dma_start3A_101 = arith.constant 0 : i32
      %dma_start3A_102 = tpu.memref_slice %arg10[%add3A_35, %dma_start3A_101] : memref<10000x32xf32, #tpu.memory_space<vmem_shared>> -> memref<113x32xf32, #tpu.memory_space<vmem_shared>>
      %dma_start3A_103 = arith.constant 0 : i32
      %dma_start3A_104 = tpu.memref_slice %arg10[%add3A_35, %dma_start3A_103] : memref<10000x32xf32, #tpu.memory_space<vmem_shared>> -> memref<113x32xf32, #tpu.memory_space<vmem_shared>>
      %dma_start3A_105 = arith.constant 0 : i32
      %dma_start3A_106 = arith.constant 0 : i32
      %dma_start3A_107 = tpu.memref_slice %arg8[%run_scoped3A_36, %dma_start3A_105, %dma_start3A_106] : memref<2x128x32xf32, #tpu.memory_space<vmem>> -> memref<1x113x32xf32, #tpu.memory_space<vmem>>
      %dma_start3A_108 = tpu.memref_squeeze %dma_start3A_107 : memref<1x113x32xf32, #tpu.memory_space<vmem>> -> memref<113x32xf32, #tpu.memory_space<vmem>>
      tpu.enqueue_dma source(%dma_start3A_108 : memref<113x32xf32, #tpu.memory_space<vmem>>) target(%dma_start3A_104 : memref<113x32xf32, #tpu.memory_space<vmem_shared>>) target_semaphore(%run_scoped3A_97 : memref<!tpu.dma_semaphore, #tpu.memory_space<semaphore_mem>>)
      %dma_wait3A_109 = arith.constant 0 : i32
      %dma_wait3A_110 = arith.constant 0 : i32
      %dma_wait3A_111 = tpu.memref_slice %arg8[%run_scoped3A_36, %dma_wait3A_109, %dma_wait3A_110] : memref<2x128x32xf32, #tpu.memory_space<vmem>> -> memref<1x113x32xf32, #tpu.memory_space<vmem>>
      %dma_wait3A_112 = tpu.memref_squeeze %dma_wait3A_111 : memref<1x113x32xf32, #tpu.memory_space<vmem>> -> memref<113x32xf32, #tpu.memory_space<vmem>>
      %dma_wait3A_113 = arith.constant 0 : i32
      %dma_wait3A_114 = tpu.memref_slice %arg10[%add3A_35, %dma_wait3A_113] : memref<10000x32xf32, #tpu.memory_space<vmem_shared>> -> memref<113x32xf32, #tpu.memory_space<vmem_shared>>
      %dma_wait3A_115 = arith.constant 0 : i32
      %dma_wait3A_116 = tpu.memref_slice %arg10[%add3A_35, %dma_wait3A_115] : memref<10000x32xf32, #tpu.memory_space<vmem_shared>> -> memref<113x32xf32, #tpu.memory_space<vmem_shared>>
      %dma_wait3A_117 = arith.constant 0 : i32
      %dma_wait3A_118 = arith.constant 0 : i32
      %dma_wait3A_119 = tpu.memref_slice %arg8[%run_scoped3A_36, %dma_wait3A_117, %dma_wait3A_118] : memref<2x128x32xf32, #tpu.memory_space<vmem>> -> memref<1x113x32xf32, #tpu.memory_space<vmem>>
      %dma_wait3A_120 = tpu.memref_squeeze %dma_wait3A_119 : memref<1x113x32xf32, #tpu.memory_space<vmem>> -> memref<113x32xf32, #tpu.memory_space<vmem>>
      tpu.wait_dma2 semaphore(%run_scoped3A_97 : memref<!tpu.dma_semaphore, #tpu.memory_space<semaphore_mem>>) src(%dma_wait3A_120 : memref<113x32xf32, #tpu.memory_space<vmem>>) dst(%dma_wait3A_116 : memref<113x32xf32, #tpu.memory_space<vmem_shared>>)
      tpu.yield
    }) : () -> ()
    %mul3A_37 = arith.constant 625 : i32
    %mul3A_38 = arith.muli %arg1, %mul3A_37 : i32
    %mul3A_39 = arith.constant 625 : i32
    %mul3A_40 = arith.muli %arg1, %mul3A_39 : i32
    "tpu.region"() ({
      %run_scoped3A_97 = tpu.sem_alloc : memref<!tpu.dma_semaphore, #tpu.memory_space<semaphore_mem>>
      %dma_start3A = arith.constant 0 : i32
      %dma_start3A_98 = tpu.memref_slice %arg9[%mul3A_40, %dma_start3A] : memref<10000x32xf32, #tpu.memory_space<vmem_shared>> -> memref<625x32xf32, #tpu.memory_space<vmem_shared>>
      %dma_start3A_99 = arith.constant 0 : i32
      %dma_start3A_100 = tpu.memref_slice %arg4[%mul3A_38, %dma_start3A_99] : memref<10000x128xf32, #tpu.memory_space<hbm>> -> memref<625x32xf32, #tpu.memory_space<hbm>>
      tpu.enqueue_dma source(%dma_start3A_100 : memref<625x32xf32, #tpu.memory_space<hbm>>) target(%dma_start3A_98 : memref<625x32xf32, #tpu.memory_space<vmem_shared>>) target_semaphore(%run_scoped3A_97 : memref<!tpu.dma_semaphore, #tpu.memory_space<semaphore_mem>>)
      %dma_wait3A_101 = arith.constant 0 : i32
      %dma_wait3A_102 = tpu.memref_slice %arg9[%mul3A_40, %dma_wait3A_101] : memref<10000x32xf32, #tpu.memory_space<vmem_shared>> -> memref<625x32xf32, #tpu.memory_space<vmem_shared>>
      %dma_wait3A_103 = arith.constant 0 : i32
      %dma_wait3A_104 = tpu.memref_slice %arg4[%mul3A_38, %dma_wait3A_103] : memref<10000x128xf32, #tpu.memory_space<hbm>> -> memref<625x32xf32, #tpu.memory_space<hbm>>
      tpu.wait_dma2 semaphore(%run_scoped3A_97 : memref<!tpu.dma_semaphore, #tpu.memory_space<semaphore_mem>>) src(%dma_wait3A_104 : memref<625x32xf32, #tpu.memory_space<hbm>>) dst(%dma_wait3A_102 : memref<625x32xf32, #tpu.memory_space<vmem_shared>>)
      tpu.yield
    }) : () -> ()
    %mul3A_41 = arith.constant 128 : i32
    %mul3A_42 = arith.muli %add3A_8, %mul3A_41 : i32
    "tpu.region"() ({
      %run_scoped3A_97 = tpu.sem_alloc : memref<!tpu.dma_semaphore, #tpu.memory_space<semaphore_mem>>
      %dma_start3A = arith.constant 0 : i32
      %dma_start3A_98 = tpu.memref_slice %arg6[%dma_start3A] : memref<10112xi32, #tpu.memory_space<vmem>> -> memref<9984xi32, #tpu.memory_space<vmem>>
      %dma_start3A_99 = tpu.memref_slice %arg2[%mul3A_42] : memref<320000xi32, #tpu.memory_space<hbm>> -> memref<9984xi32, #tpu.memory_space<hbm>>
      %dma_start3A_100 = arith.constant 0 : i32
      %dma_start3A_101 = tpu.memref_slice %arg6[%dma_start3A_100] : memref<10112xi32, #tpu.memory_space<vmem>> -> memref<9984xi32, #tpu.memory_space<vmem>>
      %dma_start3A_102 = tpu.memref_slice %arg2[%mul3A_42] : memref<320000xi32, #tpu.memory_space<hbm>> -> memref<9984xi32, #tpu.memory_space<hbm>>
      tpu.enqueue_dma source(%dma_start3A_102 : memref<9984xi32, #tpu.memory_space<hbm>>) target(%dma_start3A_101 : memref<9984xi32, #tpu.memory_space<vmem>>) target_semaphore(%run_scoped3A_97 : memref<!tpu.dma_semaphore, #tpu.memory_space<semaphore_mem>>)
      %dma_wait3A_103 = arith.constant 0 : i32
      %dma_wait3A_104 = tpu.memref_slice %arg6[%dma_wait3A_103] : memref<10112xi32, #tpu.memory_space<vmem>> -> memref<9984xi32, #tpu.memory_space<vmem>>
      %dma_wait3A_105 = tpu.memref_slice %arg2[%mul3A_42] : memref<320000xi32, #tpu.memory_space<hbm>> -> memref<9984xi32, #tpu.memory_space<hbm>>
      %dma_wait3A_106 = arith.constant 0 : i32
      %dma_wait3A_107 = tpu.memref_slice %arg6[%dma_wait3A_106] : memref<10112xi32, #tpu.memory_space<vmem>> -> memref<9984xi32, #tpu.memory_space<vmem>>
      %dma_wait3A_108 = tpu.memref_slice %arg2[%mul3A_42] : memref<320000xi32, #tpu.memory_space<hbm>> -> memref<9984xi32, #tpu.memory_space<hbm>>
      tpu.wait_dma2 semaphore(%run_scoped3A_97 : memref<!tpu.dma_semaphore, #tpu.memory_space<semaphore_mem>>) src(%dma_wait3A_108 : memref<9984xi32, #tpu.memory_space<hbm>>) dst(%dma_wait3A_107 : memref<9984xi32, #tpu.memory_space<vmem>>)
      tpu.yield
    }) : () -> ()
    %mul3A_43 = arith.constant 128 : i32
    %mul3A_44 = arith.muli %add3A_8, %mul3A_43 : i32
    "tpu.region"() ({
      %run_scoped3A_97 = tpu.sem_alloc : memref<!tpu.dma_semaphore, #tpu.memory_space<semaphore_mem>>
      %dma_start3A = arith.constant 0 : i32
      %dma_start3A_98 = tpu.memref_slice %arg7[%dma_start3A] : memref<10112xi32, #tpu.memory_space<vmem>> -> memref<9984xi32, #tpu.memory_space<vmem>>
      %dma_start3A_99 = tpu.memref_slice %arg3[%mul3A_44] : memref<320000xi32, #tpu.memory_space<hbm>> -> memref<9984xi32, #tpu.memory_space<hbm>>
      %dma_start3A_100 = arith.constant 0 : i32
      %dma_start3A_101 = tpu.memref_slice %arg7[%dma_start3A_100] : memref<10112xi32, #tpu.memory_space<vmem>> -> memref<9984xi32, #tpu.memory_space<vmem>>
      %dma_start3A_102 = tpu.memref_slice %arg3[%mul3A_44] : memref<320000xi32, #tpu.memory_space<hbm>> -> memref<9984xi32, #tpu.memory_space<hbm>>
      tpu.enqueue_dma source(%dma_start3A_102 : memref<9984xi32, #tpu.memory_space<hbm>>) target(%dma_start3A_101 : memref<9984xi32, #tpu.memory_space<vmem>>) target_semaphore(%run_scoped3A_97 : memref<!tpu.dma_semaphore, #tpu.memory_space<semaphore_mem>>)
      %dma_wait3A_103 = arith.constant 0 : i32
      %dma_wait3A_104 = tpu.memref_slice %arg7[%dma_wait3A_103] : memref<10112xi32, #tpu.memory_space<vmem>> -> memref<9984xi32, #tpu.memory_space<vmem>>
      %dma_wait3A_105 = tpu.memref_slice %arg3[%mul3A_44] : memref<320000xi32, #tpu.memory_space<hbm>> -> memref<9984xi32, #tpu.memory_space<hbm>>
      %dma_wait3A_106 = arith.constant 0 : i32
      %dma_wait3A_107 = tpu.memref_slice %arg7[%dma_wait3A_106] : memref<10112xi32, #tpu.memory_space<vmem>> -> memref<9984xi32, #tpu.memory_space<vmem>>
      %dma_wait3A_108 = tpu.memref_slice %arg3[%mul3A_44] : memref<320000xi32, #tpu.memory_space<hbm>> -> memref<9984xi32, #tpu.memory_space<hbm>>
      tpu.wait_dma2 semaphore(%run_scoped3A_97 : memref<!tpu.dma_semaphore, #tpu.memory_space<semaphore_mem>>) src(%dma_wait3A_108 : memref<9984xi32, #tpu.memory_space<hbm>>) dst(%dma_wait3A_107 : memref<9984xi32, #tpu.memory_space<vmem>>)
      tpu.yield
    }) : () -> ()
    %lt3A_45 = arith.constant 4 : i32
    %lt3A_46 = arith.cmpi slt, %add3A, %lt3A_45 : i32
    %convert_element_type3A = arith.extui %lt3A_46 : i1 to i32
    %cond3A = arith.constant 0 : i32
    %cond3A_47 = arith.cmpi ne, %convert_element_type3A, %cond3A : i32
    scf.if %cond3A_47 {
      %add3A_97 = arith.constant 78 : i32
      %add3A_98 = arith.addi %add3A_8, %add3A_97 : i32
      %mul3A_99 = arith.constant 128 : i32
      %mul3A_100 = arith.muli %add3A_98, %mul3A_99 : i32
      "tpu.region"() ({
        %run_scoped3A_105 = tpu.sem_alloc : memref<!tpu.dma_semaphore, #tpu.memory_space<semaphore_mem>>
        %dma_start3A = arith.constant 9984 : i32
        %dma_start3A_106 = tpu.memref_slice %arg6[%dma_start3A] : memref<10112xi32, #tpu.memory_space<vmem>> -> memref<128xi32, #tpu.memory_space<vmem>>
        %dma_start3A_107 = tpu.memref_slice %arg2[%mul3A_100] : memref<320000xi32, #tpu.memory_space<hbm>> -> memref<128xi32, #tpu.memory_space<hbm>>
        %dma_start3A_108 = arith.constant 9984 : i32
        %dma_start3A_109 = tpu.memref_slice %arg6[%dma_start3A_108] : memref<10112xi32, #tpu.memory_space<vmem>> -> memref<128xi32, #tpu.memory_space<vmem>>
        %dma_start3A_110 = tpu.memref_slice %arg2[%mul3A_100] : memref<320000xi32, #tpu.memory_space<hbm>> -> memref<128xi32, #tpu.memory_space<hbm>>
        tpu.enqueue_dma source(%dma_start3A_110 : memref<128xi32, #tpu.memory_space<hbm>>) target(%dma_start3A_109 : memref<128xi32, #tpu.memory_space<vmem>>) target_semaphore(%run_scoped3A_105 : memref<!tpu.dma_semaphore, #tpu.memory_space<semaphore_mem>>)
        %dma_wait3A_111 = arith.constant 9984 : i32
        %dma_wait3A_112 = tpu.memref_slice %arg6[%dma_wait3A_111] : memref<10112xi32, #tpu.memory_space<vmem>> -> memref<128xi32, #tpu.memory_space<vmem>>
        %dma_wait3A_113 = tpu.memref_slice %arg2[%mul3A_100] : memref<320000xi32, #tpu.memory_space<hbm>> -> memref<128xi32, #tpu.memory_space<hbm>>
        %dma_wait3A_114 = arith.constant 9984 : i32
        %dma_wait3A_115 = tpu.memref_slice %arg6[%dma_wait3A_114] : memref<10112xi32, #tpu.memory_space<vmem>> -> memref<128xi32, #tpu.memory_space<vmem>>
        %dma_wait3A_116 = tpu.memref_slice %arg2[%mul3A_100] : memref<320000xi32, #tpu.memory_space<hbm>> -> memref<128xi32, #tpu.memory_space<hbm>>
        tpu.wait_dma2 semaphore(%run_scoped3A_105 : memref<!tpu.dma_semaphore, #tpu.memory_space<semaphore_mem>>) src(%dma_wait3A_116 : memref<128xi32, #tpu.memory_space<hbm>>) dst(%dma_wait3A_115 : memref<128xi32, #tpu.memory_space<vmem>>)
        tpu.yield
      }) : () -> ()
      %add3A_101 = arith.constant 78 : i32
      %add3A_102 = arith.addi %add3A_8, %add3A_101 : i32
      %mul3A_103 = arith.constant 128 : i32
      %mul3A_104 = arith.muli %add3A_102, %mul3A_103 : i32
      "tpu.region"() ({
        %run_scoped3A_105 = tpu.sem_alloc : memref<!tpu.dma_semaphore, #tpu.memory_space<semaphore_mem>>
        %dma_start3A = arith.constant 9984 : i32
        %dma_start3A_106 = tpu.memref_slice %arg7[%dma_start3A] : memref<10112xi32, #tpu.memory_space<vmem>> -> memref<128xi32, #tpu.memory_space<vmem>>
        %dma_start3A_107 = tpu.memref_slice %arg3[%mul3A_104] : memref<320000xi32, #tpu.memory_space<hbm>> -> memref<128xi32, #tpu.memory_space<hbm>>
        %dma_start3A_108 = arith.constant 9984 : i32
        %dma_start3A_109 = tpu.memref_slice %arg7[%dma_start3A_108] : memref<10112xi32, #tpu.memory_space<vmem>> -> memref<128xi32, #tpu.memory_space<vmem>>
        %dma_start3A_110 = tpu.memref_slice %arg3[%mul3A_104] : memref<320000xi32, #tpu.memory_space<hbm>> -> memref<128xi32, #tpu.memory_space<hbm>>
        tpu.enqueue_dma source(%dma_start3A_110 : memref<128xi32, #tpu.memory_space<hbm>>) target(%dma_start3A_109 : memref<128xi32, #tpu.memory_space<vmem>>) target_semaphore(%run_scoped3A_105 : memref<!tpu.dma_semaphore, #tpu.memory_space<semaphore_mem>>)
        %dma_wait3A_111 = arith.constant 9984 : i32
        %dma_wait3A_112 = tpu.memref_slice %arg7[%dma_wait3A_111] : memref<10112xi32, #tpu.memory_space<vmem>> -> memref<128xi32, #tpu.memory_space<vmem>>
        %dma_wait3A_113 = tpu.memref_slice %arg3[%mul3A_104] : memref<320000xi32, #tpu.memory_space<hbm>> -> memref<128xi32, #tpu.memory_space<hbm>>
        %dma_wait3A_114 = arith.constant 9984 : i32
        %dma_wait3A_115 = tpu.memref_slice %arg7[%dma_wait3A_114] : memref<10112xi32, #tpu.memory_space<vmem>> -> memref<128xi32, #tpu.memory_space<vmem>>
        %dma_wait3A_116 = tpu.memref_slice %arg3[%mul3A_104] : memref<320000xi32, #tpu.memory_space<hbm>> -> memref<128xi32, #tpu.memory_space<hbm>>
        tpu.wait_dma2 semaphore(%run_scoped3A_105 : memref<!tpu.dma_semaphore, #tpu.memory_space<semaphore_mem>>) src(%dma_wait3A_116 : memref<128xi32, #tpu.memory_space<hbm>>) dst(%dma_wait3A_115 : memref<128xi32, #tpu.memory_space<vmem>>)
        tpu.yield
      }) : () -> ()
    } else {
    }
    %barrier3A = arith.constant 0 : index
    tpu.barrier barrier_id(%barrier3A)
    %gt3A = arith.constant 0 : i32
    %gt3A_48 = arith.cmpi sgt, %add3A_4, %gt3A : i32
    %convert_element_type3A_49 = arith.extui %gt3A_48 : i1 to i32
    %cond3A_50 = arith.constant 0 : i32
    %cond3A_51 = arith.cmpi ne, %convert_element_type3A_49, %cond3A_50 : i32
    scf.if %cond3A_51 {
      %dma_start3A = arith.constant 0 : i32
      %dma_start3A_97 = arith.constant 0 : i32
      %dma_start3A_98 = arith.constant 0 : i32
      %dma_start3A_99 = tpu.memref_slice %arg8[%dma_start3A, %dma_start3A_97, %dma_start3A_98] : memref<2x128x32xf32, #tpu.memory_space<vmem>> -> memref<1x128x32xf32, #tpu.memory_space<vmem>>
      %dma_start3A_100 = tpu.memref_squeeze %dma_start3A_99 : memref<1x128x32xf32, #tpu.memory_space<vmem>> -> memref<128x32xf32, #tpu.memory_space<vmem>>
      %dma_start3A_101 = arith.constant 0 : i32
      %dma_start3A_102 = tpu.memref_slice %arg6[%dma_start3A_101] : memref<10112xi32, #tpu.memory_space<vmem>> -> memref<128xi32, #tpu.memory_space<vmem>>
      %dma_start3A_103 = arith.constant 0 : i32
      %dma_start3A_104 = arith.constant 0 : i32
      %dma_start3A_105 = tpu.memref_slice %arg9[%dma_start3A_103, %dma_start3A_104] : memref<10000x32xf32, #tpu.memory_space<vmem_shared>> -> memref<10000x32xf32, #tpu.memory_space<vmem_shared>>
      tpu.enqueue_indirect_dma source(%dma_start3A_105 : memref<10000x32xf32, #tpu.memory_space<vmem_shared>>) target(%dma_start3A_100 : memref<128x32xf32, #tpu.memory_space<vmem>>) offsets(%dma_start3A_102 : memref<128xi32, #tpu.memory_space<vmem>>) semaphore(%arg11 : memref<!tpu.dma_semaphore, #tpu.memory_space<semaphore_mem>>)
    } else {
    }
    %gt3A_52 = arith.constant 1 : i32
    %gt3A_53 = arith.cmpi sgt, %add3A_4, %gt3A_52 : i32
    %convert_element_type3A_54 = arith.extui %gt3A_53 : i1 to i32
    %cond3A_55 = arith.constant 0 : i32
    %cond3A_56 = arith.cmpi ne, %convert_element_type3A_54, %cond3A_55 : i32
    scf.if %cond3A_56 {
      %dma_start3A = arith.constant 1 : i32
      %dma_start3A_97 = arith.constant 0 : i32
      %dma_start3A_98 = arith.constant 0 : i32
      %dma_start3A_99 = tpu.memref_slice %arg8[%dma_start3A, %dma_start3A_97, %dma_start3A_98] : memref<2x128x32xf32, #tpu.memory_space<vmem>> -> memref<1x128x32xf32, #tpu.memory_space<vmem>>
      %dma_start3A_100 = tpu.memref_squeeze %dma_start3A_99 : memref<1x128x32xf32, #tpu.memory_space<vmem>> -> memref<128x32xf32, #tpu.memory_space<vmem>>
      %dma_start3A_101 = arith.constant 128 : i32
      %dma_start3A_102 = tpu.memref_slice %arg6[%dma_start3A_101] : memref<10112xi32, #tpu.memory_space<vmem>> -> memref<128xi32, #tpu.memory_space<vmem>>
      %dma_start3A_103 = arith.constant 0 : i32
      %dma_start3A_104 = arith.constant 0 : i32
      %dma_start3A_105 = tpu.memref_slice %arg9[%dma_start3A_103, %dma_start3A_104] : memref<10000x32xf32, #tpu.memory_space<vmem_shared>> -> memref<10000x32xf32, #tpu.memory_space<vmem_shared>>
      tpu.enqueue_indirect_dma source(%dma_start3A_105 : memref<10000x32xf32, #tpu.memory_space<vmem_shared>>) target(%dma_start3A_100 : memref<128x32xf32, #tpu.memory_space<vmem>>) offsets(%dma_start3A_102 : memref<128xi32, #tpu.memory_space<vmem>>) semaphore(%arg12 : memref<!tpu.dma_semaphore, #tpu.memory_space<semaphore_mem>>)
    } else {
    }
    %sub3A = arith.constant 0 : i32
    %sub3A_57 = arith.subi %add3A_4, %sub3A : i32
    %sub3A_58 = arith.constant 2 : i32
    %sub3A_59 = arith.constant 1 : i32
    %sub3A_60 = arith.subi %sub3A_58, %sub3A_59 : i32
    %add3A_61 = arith.addi %sub3A_57, %sub3A_60 : i32
    %div3A = arith.constant 2 : i32
    %div3A_62 = arith.divsi %add3A_61, %div3A : i32
    %while3A = arith.constant 2 : i32
    %while3A_63 = arith.constant 0 : i32
    %while3A_64 = arith.constant 0 : i32
    %while3A_65 = arith.subi %div3A_62, %while3A_64 : i32
    %while3A_66 = arith.addi %while3A_64, %while3A_65 : i32
    %while3A_67 = arith.constant 1 : i32
    %while3A_68 = arith.divsi %while3A_65, %while3A_67 : i32
    %while3A_69 = arith.muli %while3A_68, %while3A_67 : i32
    %while3A_70 = arith.addi %while3A_64, %while3A_69 : i32
    %while3A_71 = arith.constant 1 : i32
    scf.for %while3A_97 = %while3A_64 to %while3A_70 step %while3A_71  : i32 {
      %mul3A_98 = arith.muli %while3A_97, %while3A : i32
      %add3A_99 = arith.addi %while3A_63, %mul3A_98 : i32
      %add3A_100 = arith.constant 0 : i32
      %add3A_101 = arith.addi %add3A_99, %add3A_100 : i32
      %lt3A_102 = arith.cmpi slt, %add3A_101, %add3A_4 : i32
      %convert_element_type3A_103 = arith.extui %lt3A_102 : i1 to i32
      %cond3A_104 = arith.constant 0 : i32
      %cond3A_105 = arith.cmpi ne, %convert_element_type3A_103, %cond3A_104 : i32
      scf.if %cond3A_105 {
        %add3A_128 = arith.constant 0 : i32
        %add3A_129 = arith.addi %add3A_99, %add3A_128 : i32
        %mul3A_130 = arith.constant 128 : i32
        %mul3A_131 = arith.muli %add3A_129, %mul3A_130 : i32
        %dma_wait3A_132 = arith.constant 0 : i32
        %dma_wait3A_133 = arith.constant 0 : i32
        %dma_wait3A_134 = arith.constant 0 : i32
        %dma_wait3A_135 = tpu.memref_slice %arg8[%dma_wait3A_132, %dma_wait3A_133, %dma_wait3A_134] : memref<2x128x32xf32, #tpu.memory_space<vmem>> -> memref<1x128x32xf32, #tpu.memory_space<vmem>>
        %dma_wait3A_136 = tpu.memref_squeeze %dma_wait3A_135 : memref<1x128x32xf32, #tpu.memory_space<vmem>> -> memref<128x32xf32, #tpu.memory_space<vmem>>
        %dma_wait3A_137 = tpu.memref_slice %arg6[%mul3A_131] : memref<10112xi32, #tpu.memory_space<vmem>> -> memref<128xi32, #tpu.memory_space<vmem>>
        %dma_wait3A_138 = arith.constant 0 : i32
        %dma_wait3A_139 = arith.constant 0 : i32
        %dma_wait3A_140 = tpu.memref_slice %arg9[%dma_wait3A_138, %dma_wait3A_139] : memref<10000x32xf32, #tpu.memory_space<vmem_shared>> -> memref<10000x32xf32, #tpu.memory_space<vmem_shared>>
        tpu.wait_indirect_dma semaphore(%arg11 : memref<!tpu.dma_semaphore, #tpu.memory_space<semaphore_mem>>) src(%dma_wait3A_140 : memref<10000x32xf32, #tpu.memory_space<vmem_shared>>) dst(%dma_wait3A_136 : memref<128x32xf32, #tpu.memory_space<vmem>>)
        %add3A_141 = arith.constant 0 : i32
        %add3A_142 = arith.addi %add3A_99, %add3A_141 : i32
        %mul3A_143 = arith.constant 128 : i32
        %mul3A_144 = arith.muli %add3A_142, %mul3A_143 : i32
        %dma_start3A = arith.constant 0 : i32
        %dma_start3A_145 = arith.constant 0 : i32
        %dma_start3A_146 = arith.constant 0 : i32
        %dma_start3A_147 = tpu.memref_slice %arg8[%dma_start3A, %dma_start3A_145, %dma_start3A_146] : memref<2x128x32xf32, #tpu.memory_space<vmem>> -> memref<1x128x32xf32, #tpu.memory_space<vmem>>
        %dma_start3A_148 = tpu.memref_squeeze %dma_start3A_147 : memref<1x128x32xf32, #tpu.memory_space<vmem>> -> memref<128x32xf32, #tpu.memory_space<vmem>>
        %dma_start3A_149 = tpu.memref_slice %arg7[%mul3A_144] : memref<10112xi32, #tpu.memory_space<vmem>> -> memref<128xi32, #tpu.memory_space<vmem>>
        %dma_start3A_150 = arith.constant 0 : i32
        %dma_start3A_151 = arith.constant 0 : i32
        %dma_start3A_152 = tpu.memref_slice %arg10[%dma_start3A_150, %dma_start3A_151] : memref<10000x32xf32, #tpu.memory_space<vmem_shared>> -> memref<10000x32xf32, #tpu.memory_space<vmem_shared>>
        tpu.enqueue_indirect_dma source(%dma_start3A_148 : memref<128x32xf32, #tpu.memory_space<vmem>>) target(%dma_start3A_152 : memref<10000x32xf32, #tpu.memory_space<vmem_shared>>) offsets(%dma_start3A_149 : memref<128xi32, #tpu.memory_space<vmem>>) semaphore(%arg13 : memref<!tpu.dma_semaphore, #tpu.memory_space<semaphore_mem>>) {add = true}
      } else {
      }
      %add3A_106 = arith.constant 1 : i32
      %add3A_107 = arith.addi %add3A_99, %add3A_106 : i32
      %lt3A_108 = arith.cmpi slt, %add3A_107, %add3A_4 : i32
      %convert_element_type3A_109 = arith.extui %lt3A_108 : i1 to i32
      %cond3A_110 = arith.constant 0 : i32
      %cond3A_111 = arith.cmpi ne, %convert_element_type3A_109, %cond3A_110 : i32
      scf.if %cond3A_111 {
        %add3A_128 = arith.constant 1 : i32
        %add3A_129 = arith.addi %add3A_99, %add3A_128 : i32
        %mul3A_130 = arith.constant 128 : i32
        %mul3A_131 = arith.muli %add3A_129, %mul3A_130 : i32
        %dma_wait3A_132 = arith.constant 1 : i32
        %dma_wait3A_133 = arith.constant 0 : i32
        %dma_wait3A_134 = arith.constant 0 : i32
        %dma_wait3A_135 = tpu.memref_slice %arg8[%dma_wait3A_132, %dma_wait3A_133, %dma_wait3A_134] : memref<2x128x32xf32, #tpu.memory_space<vmem>> -> memref<1x128x32xf32, #tpu.memory_space<vmem>>
        %dma_wait3A_136 = tpu.memref_squeeze %dma_wait3A_135 : memref<1x128x32xf32, #tpu.memory_space<vmem>> -> memref<128x32xf32, #tpu.memory_space<vmem>>
        %dma_wait3A_137 = tpu.memref_slice %arg6[%mul3A_131] : memref<10112xi32, #tpu.memory_space<vmem>> -> memref<128xi32, #tpu.memory_space<vmem>>
        %dma_wait3A_138 = arith.constant 0 : i32
        %dma_wait3A_139 = arith.constant 0 : i32
        %dma_wait3A_140 = tpu.memref_slice %arg9[%dma_wait3A_138, %dma_wait3A_139] : memref<10000x32xf32, #tpu.memory_space<vmem_shared>> -> memref<10000x32xf32, #tpu.memory_space<vmem_shared>>
        tpu.wait_indirect_dma semaphore(%arg12 : memref<!tpu.dma_semaphore, #tpu.memory_space<semaphore_mem>>) src(%dma_wait3A_140 : memref<10000x32xf32, #tpu.memory_space<vmem_shared>>) dst(%dma_wait3A_136 : memref<128x32xf32, #tpu.memory_space<vmem>>)
        %add3A_141 = arith.constant 1 : i32
        %add3A_142 = arith.addi %add3A_99, %add3A_141 : i32
        %mul3A_143 = arith.constant 128 : i32
        %mul3A_144 = arith.muli %add3A_142, %mul3A_143 : i32
        %dma_start3A = arith.constant 1 : i32
        %dma_start3A_145 = arith.constant 0 : i32
        %dma_start3A_146 = arith.constant 0 : i32
        %dma_start3A_147 = tpu.memref_slice %arg8[%dma_start3A, %dma_start3A_145, %dma_start3A_146] : memref<2x128x32xf32, #tpu.memory_space<vmem>> -> memref<1x128x32xf32, #tpu.memory_space<vmem>>
        %dma_start3A_148 = tpu.memref_squeeze %dma_start3A_147 : memref<1x128x32xf32, #tpu.memory_space<vmem>> -> memref<128x32xf32, #tpu.memory_space<vmem>>
        %dma_start3A_149 = tpu.memref_slice %arg7[%mul3A_144] : memref<10112xi32, #tpu.memory_space<vmem>> -> memref<128xi32, #tpu.memory_space<vmem>>
        %dma_start3A_150 = arith.constant 0 : i32
        %dma_start3A_151 = arith.constant 0 : i32
        %dma_start3A_152 = tpu.memref_slice %arg10[%dma_start3A_150, %dma_start3A_151] : memref<10000x32xf32, #tpu.memory_space<vmem_shared>> -> memref<10000x32xf32, #tpu.memory_space<vmem_shared>>
        tpu.enqueue_indirect_dma source(%dma_start3A_148 : memref<128x32xf32, #tpu.memory_space<vmem>>) target(%dma_start3A_152 : memref<10000x32xf32, #tpu.memory_space<vmem_shared>>) offsets(%dma_start3A_149 : memref<128xi32, #tpu.memory_space<vmem>>) semaphore(%arg14 : memref<!tpu.dma_semaphore, #tpu.memory_space<semaphore_mem>>) {add = true}
      } else {
      }
      %add3A_112 = arith.constant 0 : i32
      %add3A_113 = arith.addi %add3A_99, %add3A_112 : i32
      %add3A_114 = arith.constant 2 : i32
      %add3A_115 = arith.addi %add3A_113, %add3A_114 : i32
      %lt3A_116 = arith.cmpi slt, %add3A_115, %add3A_4 : i32
      %convert_element_type3A_117 = arith.extui %lt3A_116 : i1 to i32
      %cond3A_118 = arith.constant 0 : i32
      %cond3A_119 = arith.cmpi ne, %convert_element_type3A_117, %cond3A_118 : i32
      scf.if %cond3A_119 {
        %add3A_128 = arith.constant 0 : i32
        %add3A_129 = arith.addi %add3A_99, %add3A_128 : i32
        %mul3A_130 = arith.constant 128 : i32
        %mul3A_131 = arith.muli %add3A_129, %mul3A_130 : i32
        %dma_wait3A_132 = arith.constant 0 : i32
        %dma_wait3A_133 = arith.constant 0 : i32
        %dma_wait3A_134 = arith.constant 0 : i32
        %dma_wait3A_135 = tpu.memref_slice %arg8[%dma_wait3A_132, %dma_wait3A_133, %dma_wait3A_134] : memref<2x128x32xf32, #tpu.memory_space<vmem>> -> memref<1x128x32xf32, #tpu.memory_space<vmem>>
        %dma_wait3A_136 = tpu.memref_squeeze %dma_wait3A_135 : memref<1x128x32xf32, #tpu.memory_space<vmem>> -> memref<128x32xf32, #tpu.memory_space<vmem>>
        %dma_wait3A_137 = tpu.memref_slice %arg7[%mul3A_131] : memref<10112xi32, #tpu.memory_space<vmem>> -> memref<128xi32, #tpu.memory_space<vmem>>
        %dma_wait3A_138 = arith.constant 0 : i32
        %dma_wait3A_139 = arith.constant 0 : i32
        %dma_wait3A_140 = tpu.memref_slice %arg10[%dma_wait3A_138, %dma_wait3A_139] : memref<10000x32xf32, #tpu.memory_space<vmem_shared>> -> memref<10000x32xf32, #tpu.memory_space<vmem_shared>>
        tpu.wait_indirect_dma semaphore(%arg13 : memref<!tpu.dma_semaphore, #tpu.memory_space<semaphore_mem>>) src(%dma_wait3A_136 : memref<128x32xf32, #tpu.memory_space<vmem>>) dst(%dma_wait3A_140 : memref<10000x32xf32, #tpu.memory_space<vmem_shared>>)
        %add3A_141 = arith.constant 0 : i32
        %add3A_142 = arith.addi %add3A_99, %add3A_141 : i32
        %add3A_143 = arith.constant 2 : i32
        %add3A_144 = arith.addi %add3A_142, %add3A_143 : i32
        %mul3A_145 = arith.constant 128 : i32
        %mul3A_146 = arith.muli %add3A_144, %mul3A_145 : i32
        %dma_start3A = arith.constant 0 : i32
        %dma_start3A_147 = arith.constant 0 : i32
        %dma_start3A_148 = arith.constant 0 : i32
        %dma_start3A_149 = tpu.memref_slice %arg8[%dma_start3A, %dma_start3A_147, %dma_start3A_148] : memref<2x128x32xf32, #tpu.memory_space<vmem>> -> memref<1x128x32xf32, #tpu.memory_space<vmem>>
        %dma_start3A_150 = tpu.memref_squeeze %dma_start3A_149 : memref<1x128x32xf32, #tpu.memory_space<vmem>> -> memref<128x32xf32, #tpu.memory_space<vmem>>
        %dma_start3A_151 = tpu.memref_slice %arg6[%mul3A_146] : memref<10112xi32, #tpu.memory_space<vmem>> -> memref<128xi32, #tpu.memory_space<vmem>>
        %dma_start3A_152 = arith.constant 0 : i32
        %dma_start3A_153 = arith.constant 0 : i32
        %dma_start3A_154 = tpu.memref_slice %arg9[%dma_start3A_152, %dma_start3A_153] : memref<10000x32xf32, #tpu.memory_space<vmem_shared>> -> memref<10000x32xf32, #tpu.memory_space<vmem_shared>>
        tpu.enqueue_indirect_dma source(%dma_start3A_154 : memref<10000x32xf32, #tpu.memory_space<vmem_shared>>) target(%dma_start3A_150 : memref<128x32xf32, #tpu.memory_space<vmem>>) offsets(%dma_start3A_151 : memref<128xi32, #tpu.memory_space<vmem>>) semaphore(%arg11 : memref<!tpu.dma_semaphore, #tpu.memory_space<semaphore_mem>>)
      } else {
      }
      %add3A_120 = arith.constant 1 : i32
      %add3A_121 = arith.addi %add3A_99, %add3A_120 : i32
      %add3A_122 = arith.constant 2 : i32
      %add3A_123 = arith.addi %add3A_121, %add3A_122 : i32
      %lt3A_124 = arith.cmpi slt, %add3A_123, %add3A_4 : i32
      %convert_element_type3A_125 = arith.extui %lt3A_124 : i1 to i32
      %cond3A_126 = arith.constant 0 : i32
      %cond3A_127 = arith.cmpi ne, %convert_element_type3A_125, %cond3A_126 : i32
      scf.if %cond3A_127 {
        %add3A_128 = arith.constant 1 : i32
        %add3A_129 = arith.addi %add3A_99, %add3A_128 : i32
        %mul3A_130 = arith.constant 128 : i32
        %mul3A_131 = arith.muli %add3A_129, %mul3A_130 : i32
        %dma_wait3A_132 = arith.constant 1 : i32
        %dma_wait3A_133 = arith.constant 0 : i32
        %dma_wait3A_134 = arith.constant 0 : i32
        %dma_wait3A_135 = tpu.memref_slice %arg8[%dma_wait3A_132, %dma_wait3A_133, %dma_wait3A_134] : memref<2x128x32xf32, #tpu.memory_space<vmem>> -> memref<1x128x32xf32, #tpu.memory_space<vmem>>
        %dma_wait3A_136 = tpu.memref_squeeze %dma_wait3A_135 : memref<1x128x32xf32, #tpu.memory_space<vmem>> -> memref<128x32xf32, #tpu.memory_space<vmem>>
        %dma_wait3A_137 = tpu.memref_slice %arg7[%mul3A_131] : memref<10112xi32, #tpu.memory_space<vmem>> -> memref<128xi32, #tpu.memory_space<vmem>>
        %dma_wait3A_138 = arith.constant 0 : i32
        %dma_wait3A_139 = arith.constant 0 : i32
        %dma_wait3A_140 = tpu.memref_slice %arg10[%dma_wait3A_138, %dma_wait3A_139] : memref<10000x32xf32, #tpu.memory_space<vmem_shared>> -> memref<10000x32xf32, #tpu.memory_space<vmem_shared>>
        tpu.wait_indirect_dma semaphore(%arg14 : memref<!tpu.dma_semaphore, #tpu.memory_space<semaphore_mem>>) src(%dma_wait3A_136 : memref<128x32xf32, #tpu.memory_space<vmem>>) dst(%dma_wait3A_140 : memref<10000x32xf32, #tpu.memory_space<vmem_shared>>)
        %add3A_141 = arith.constant 1 : i32
        %add3A_142 = arith.addi %add3A_99, %add3A_141 : i32
        %add3A_143 = arith.constant 2 : i32
        %add3A_144 = arith.addi %add3A_142, %add3A_143 : i32
        %mul3A_145 = arith.constant 128 : i32
        %mul3A_146 = arith.muli %add3A_144, %mul3A_145 : i32
        %dma_start3A = arith.constant 1 : i32
        %dma_start3A_147 = arith.constant 0 : i32
        %dma_start3A_148 = arith.constant 0 : i32
        %dma_start3A_149 = tpu.memref_slice %arg8[%dma_start3A, %dma_start3A_147, %dma_start3A_148] : memref<2x128x32xf32, #tpu.memory_space<vmem>> -> memref<1x128x32xf32, #tpu.memory_space<vmem>>
        %dma_start3A_150 = tpu.memref_squeeze %dma_start3A_149 : memref<1x128x32xf32, #tpu.memory_space<vmem>> -> memref<128x32xf32, #tpu.memory_space<vmem>>
        %dma_start3A_151 = tpu.memref_slice %arg6[%mul3A_146] : memref<10112xi32, #tpu.memory_space<vmem>> -> memref<128xi32, #tpu.memory_space<vmem>>
        %dma_start3A_152 = arith.constant 0 : i32
        %dma_start3A_153 = arith.constant 0 : i32
        %dma_start3A_154 = tpu.memref_slice %arg9[%dma_start3A_152, %dma_start3A_153] : memref<10000x32xf32, #tpu.memory_space<vmem_shared>> -> memref<10000x32xf32, #tpu.memory_space<vmem_shared>>
        tpu.enqueue_indirect_dma source(%dma_start3A_154 : memref<10000x32xf32, #tpu.memory_space<vmem_shared>>) target(%dma_start3A_150 : memref<128x32xf32, #tpu.memory_space<vmem>>) offsets(%dma_start3A_151 : memref<128xi32, #tpu.memory_space<vmem>>) semaphore(%arg12 : memref<!tpu.dma_semaphore, #tpu.memory_space<semaphore_mem>>)
      } else {
      }
    }
    %while3A_72 = arith.constant 1 : i32
    scf.for %while3A_97 = %while3A_70 to %while3A_66 step %while3A_72  : i32 {
      %mul3A_98 = arith.muli %while3A_97, %while3A : i32
      %add3A_99 = arith.addi %while3A_63, %mul3A_98 : i32
      %add3A_100 = arith.constant 0 : i32
      %add3A_101 = arith.addi %add3A_99, %add3A_100 : i32
      %lt3A_102 = arith.cmpi slt, %add3A_101, %add3A_4 : i32
      %convert_element_type3A_103 = arith.extui %lt3A_102 : i1 to i32
      %cond3A_104 = arith.constant 0 : i32
      %cond3A_105 = arith.cmpi ne, %convert_element_type3A_103, %cond3A_104 : i32
      scf.if %cond3A_105 {
        %add3A_128 = arith.constant 0 : i32
        %add3A_129 = arith.addi %add3A_99, %add3A_128 : i32
        %mul3A_130 = arith.constant 128 : i32
        %mul3A_131 = arith.muli %add3A_129, %mul3A_130 : i32
        %dma_wait3A_132 = arith.constant 0 : i32
        %dma_wait3A_133 = arith.constant 0 : i32
        %dma_wait3A_134 = arith.constant 0 : i32
        %dma_wait3A_135 = tpu.memref_slice %arg8[%dma_wait3A_132, %dma_wait3A_133, %dma_wait3A_134] : memref<2x128x32xf32, #tpu.memory_space<vmem>> -> memref<1x128x32xf32, #tpu.memory_space<vmem>>
        %dma_wait3A_136 = tpu.memref_squeeze %dma_wait3A_135 : memref<1x128x32xf32, #tpu.memory_space<vmem>> -> memref<128x32xf32, #tpu.memory_space<vmem>>
        %dma_wait3A_137 = tpu.memref_slice %arg6[%mul3A_131] : memref<10112xi32, #tpu.memory_space<vmem>> -> memref<128xi32, #tpu.memory_space<vmem>>
        %dma_wait3A_138 = arith.constant 0 : i32
        %dma_wait3A_139 = arith.constant 0 : i32
        %dma_wait3A_140 = tpu.memref_slice %arg9[%dma_wait3A_138, %dma_wait3A_139] : memref<10000x32xf32, #tpu.memory_space<vmem_shared>> -> memref<10000x32xf32, #tpu.memory_space<vmem_shared>>
        tpu.wait_indirect_dma semaphore(%arg11 : memref<!tpu.dma_semaphore, #tpu.memory_space<semaphore_mem>>) src(%dma_wait3A_140 : memref<10000x32xf32, #tpu.memory_space<vmem_shared>>) dst(%dma_wait3A_136 : memref<128x32xf32, #tpu.memory_space<vmem>>)
        %add3A_141 = arith.constant 0 : i32
        %add3A_142 = arith.addi %add3A_99, %add3A_141 : i32
        %mul3A_143 = arith.constant 128 : i32
        %mul3A_144 = arith.muli %add3A_142, %mul3A_143 : i32
        %dma_start3A = arith.constant 0 : i32
        %dma_start3A_145 = arith.constant 0 : i32
        %dma_start3A_146 = arith.constant 0 : i32
        %dma_start3A_147 = tpu.memref_slice %arg8[%dma_start3A, %dma_start3A_145, %dma_start3A_146] : memref<2x128x32xf32, #tpu.memory_space<vmem>> -> memref<1x128x32xf32, #tpu.memory_space<vmem>>
        %dma_start3A_148 = tpu.memref_squeeze %dma_start3A_147 : memref<1x128x32xf32, #tpu.memory_space<vmem>> -> memref<128x32xf32, #tpu.memory_space<vmem>>
        %dma_start3A_149 = tpu.memref_slice %arg7[%mul3A_144] : memref<10112xi32, #tpu.memory_space<vmem>> -> memref<128xi32, #tpu.memory_space<vmem>>
        %dma_start3A_150 = arith.constant 0 : i32
        %dma_start3A_151 = arith.constant 0 : i32
        %dma_start3A_152 = tpu.memref_slice %arg10[%dma_start3A_150, %dma_start3A_151] : memref<10000x32xf32, #tpu.memory_space<vmem_shared>> -> memref<10000x32xf32, #tpu.memory_space<vmem_shared>>
        tpu.enqueue_indirect_dma source(%dma_start3A_148 : memref<128x32xf32, #tpu.memory_space<vmem>>) target(%dma_start3A_152 : memref<10000x32xf32, #tpu.memory_space<vmem_shared>>) offsets(%dma_start3A_149 : memref<128xi32, #tpu.memory_space<vmem>>) semaphore(%arg13 : memref<!tpu.dma_semaphore, #tpu.memory_space<semaphore_mem>>) {add = true}
      } else {
      }
      %add3A_106 = arith.constant 1 : i32
      %add3A_107 = arith.addi %add3A_99, %add3A_106 : i32
      %lt3A_108 = arith.cmpi slt, %add3A_107, %add3A_4 : i32
      %convert_element_type3A_109 = arith.extui %lt3A_108 : i1 to i32
      %cond3A_110 = arith.constant 0 : i32
      %cond3A_111 = arith.cmpi ne, %convert_element_type3A_109, %cond3A_110 : i32
      scf.if %cond3A_111 {
        %add3A_128 = arith.constant 1 : i32
        %add3A_129 = arith.addi %add3A_99, %add3A_128 : i32
        %mul3A_130 = arith.constant 128 : i32
        %mul3A_131 = arith.muli %add3A_129, %mul3A_130 : i32
        %dma_wait3A_132 = arith.constant 1 : i32
        %dma_wait3A_133 = arith.constant 0 : i32
        %dma_wait3A_134 = arith.constant 0 : i32
        %dma_wait3A_135 = tpu.memref_slice %arg8[%dma_wait3A_132, %dma_wait3A_133, %dma_wait3A_134] : memref<2x128x32xf32, #tpu.memory_space<vmem>> -> memref<1x128x32xf32, #tpu.memory_space<vmem>>
        %dma_wait3A_136 = tpu.memref_squeeze %dma_wait3A_135 : memref<1x128x32xf32, #tpu.memory_space<vmem>> -> memref<128x32xf32, #tpu.memory_space<vmem>>
        %dma_wait3A_137 = tpu.memref_slice %arg6[%mul3A_131] : memref<10112xi32, #tpu.memory_space<vmem>> -> memref<128xi32, #tpu.memory_space<vmem>>
        %dma_wait3A_138 = arith.constant 0 : i32
        %dma_wait3A_139 = arith.constant 0 : i32
        %dma_wait3A_140 = tpu.memref_slice %arg9[%dma_wait3A_138, %dma_wait3A_139] : memref<10000x32xf32, #tpu.memory_space<vmem_shared>> -> memref<10000x32xf32, #tpu.memory_space<vmem_shared>>
        tpu.wait_indirect_dma semaphore(%arg12 : memref<!tpu.dma_semaphore, #tpu.memory_space<semaphore_mem>>) src(%dma_wait3A_140 : memref<10000x32xf32, #tpu.memory_space<vmem_shared>>) dst(%dma_wait3A_136 : memref<128x32xf32, #tpu.memory_space<vmem>>)
        %add3A_141 = arith.constant 1 : i32
        %add3A_142 = arith.addi %add3A_99, %add3A_141 : i32
        %mul3A_143 = arith.constant 128 : i32
        %mul3A_144 = arith.muli %add3A_142, %mul3A_143 : i32
        %dma_start3A = arith.constant 1 : i32
        %dma_start3A_145 = arith.constant 0 : i32
        %dma_start3A_146 = arith.constant 0 : i32
        %dma_start3A_147 = tpu.memref_slice %arg8[%dma_start3A, %dma_start3A_145, %dma_start3A_146] : memref<2x128x32xf32, #tpu.memory_space<vmem>> -> memref<1x128x32xf32, #tpu.memory_space<vmem>>
        %dma_start3A_148 = tpu.memref_squeeze %dma_start3A_147 : memref<1x128x32xf32, #tpu.memory_space<vmem>> -> memref<128x32xf32, #tpu.memory_space<vmem>>
        %dma_start3A_149 = tpu.memref_slice %arg7[%mul3A_144] : memref<10112xi32, #tpu.memory_space<vmem>> -> memref<128xi32, #tpu.memory_space<vmem>>
        %dma_start3A_150 = arith.constant 0 : i32
        %dma_start3A_151 = arith.constant 0 : i32
        %dma_start3A_152 = tpu.memref_slice %arg10[%dma_start3A_150, %dma_start3A_151] : memref<10000x32xf32, #tpu.memory_space<vmem_shared>> -> memref<10000x32xf32, #tpu.memory_space<vmem_shared>>
        tpu.enqueue_indirect_dma source(%dma_start3A_148 : memref<128x32xf32, #tpu.memory_space<vmem>>) target(%dma_start3A_152 : memref<10000x32xf32, #tpu.memory_space<vmem_shared>>) offsets(%dma_start3A_149 : memref<128xi32, #tpu.memory_space<vmem>>) semaphore(%arg14 : memref<!tpu.dma_semaphore, #tpu.memory_space<semaphore_mem>>) {add = true}
      } else {
      }
      %add3A_112 = arith.constant 0 : i32
      %add3A_113 = arith.addi %add3A_99, %add3A_112 : i32
      %add3A_114 = arith.constant 2 : i32
      %add3A_115 = arith.addi %add3A_113, %add3A_114 : i32
      %lt3A_116 = arith.cmpi slt, %add3A_115, %add3A_4 : i32
      %convert_element_type3A_117 = arith.extui %lt3A_116 : i1 to i32
      %cond3A_118 = arith.constant 0 : i32
      %cond3A_119 = arith.cmpi ne, %convert_element_type3A_117, %cond3A_118 : i32
      scf.if %cond3A_119 {
        %add3A_128 = arith.constant 0 : i32
        %add3A_129 = arith.addi %add3A_99, %add3A_128 : i32
        %mul3A_130 = arith.constant 128 : i32
        %mul3A_131 = arith.muli %add3A_129, %mul3A_130 : i32
        %dma_wait3A_132 = arith.constant 0 : i32
        %dma_wait3A_133 = arith.constant 0 : i32
        %dma_wait3A_134 = arith.constant 0 : i32
        %dma_wait3A_135 = tpu.memref_slice %arg8[%dma_wait3A_132, %dma_wait3A_133, %dma_wait3A_134] : memref<2x128x32xf32, #tpu.memory_space<vmem>> -> memref<1x128x32xf32, #tpu.memory_space<vmem>>
        %dma_wait3A_136 = tpu.memref_squeeze %dma_wait3A_135 : memref<1x128x32xf32, #tpu.memory_space<vmem>> -> memref<128x32xf32, #tpu.memory_space<vmem>>
        %dma_wait3A_137 = tpu.memref_slice %arg7[%mul3A_131] : memref<10112xi32, #tpu.memory_space<vmem>> -> memref<128xi32, #tpu.memory_space<vmem>>
        %dma_wait3A_138 = arith.constant 0 : i32
        %dma_wait3A_139 = arith.constant 0 : i32
        %dma_wait3A_140 = tpu.memref_slice %arg10[%dma_wait3A_138, %dma_wait3A_139] : memref<10000x32xf32, #tpu.memory_space<vmem_shared>> -> memref<10000x32xf32, #tpu.memory_space<vmem_shared>>
        tpu.wait_indirect_dma semaphore(%arg13 : memref<!tpu.dma_semaphore, #tpu.memory_space<semaphore_mem>>) src(%dma_wait3A_136 : memref<128x32xf32, #tpu.memory_space<vmem>>) dst(%dma_wait3A_140 : memref<10000x32xf32, #tpu.memory_space<vmem_shared>>)
        %add3A_141 = arith.constant 0 : i32
        %add3A_142 = arith.addi %add3A_99, %add3A_141 : i32
        %add3A_143 = arith.constant 2 : i32
        %add3A_144 = arith.addi %add3A_142, %add3A_143 : i32
        %mul3A_145 = arith.constant 128 : i32
        %mul3A_146 = arith.muli %add3A_144, %mul3A_145 : i32
        %dma_start3A = arith.constant 0 : i32
        %dma_start3A_147 = arith.constant 0 : i32
        %dma_start3A_148 = arith.constant 0 : i32
        %dma_start3A_149 = tpu.memref_slice %arg8[%dma_start3A, %dma_start3A_147, %dma_start3A_148] : memref<2x128x32xf32, #tpu.memory_space<vmem>> -> memref<1x128x32xf32, #tpu.memory_space<vmem>>
        %dma_start3A_150 = tpu.memref_squeeze %dma_start3A_149 : memref<1x128x32xf32, #tpu.memory_space<vmem>> -> memref<128x32xf32, #tpu.memory_space<vmem>>
        %dma_start3A_151 = tpu.memref_slice %arg6[%mul3A_146] : memref<10112xi32, #tpu.memory_space<vmem>> -> memref<128xi32, #tpu.memory_space<vmem>>
        %dma_start3A_152 = arith.constant 0 : i32
        %dma_start3A_153 = arith.constant 0 : i32
        %dma_start3A_154 = tpu.memref_slice %arg9[%dma_start3A_152, %dma_start3A_153] : memref<10000x32xf32, #tpu.memory_space<vmem_shared>> -> memref<10000x32xf32, #tpu.memory_space<vmem_shared>>
        tpu.enqueue_indirect_dma source(%dma_start3A_154 : memref<10000x32xf32, #tpu.memory_space<vmem_shared>>) target(%dma_start3A_150 : memref<128x32xf32, #tpu.memory_space<vmem>>) offsets(%dma_start3A_151 : memref<128xi32, #tpu.memory_space<vmem>>) semaphore(%arg11 : memref<!tpu.dma_semaphore, #tpu.memory_space<semaphore_mem>>)
      } else {
      }
      %add3A_120 = arith.constant 1 : i32
      %add3A_121 = arith.addi %add3A_99, %add3A_120 : i32
      %add3A_122 = arith.constant 2 : i32
      %add3A_123 = arith.addi %add3A_121, %add3A_122 : i32
      %lt3A_124 = arith.cmpi slt, %add3A_123, %add3A_4 : i32
      %convert_element_type3A_125 = arith.extui %lt3A_124 : i1 to i32
      %cond3A_126 = arith.constant 0 : i32
      %cond3A_127 = arith.cmpi ne, %convert_element_type3A_125, %cond3A_126 : i32
      scf.if %cond3A_127 {
        %add3A_128 = arith.constant 1 : i32
        %add3A_129 = arith.addi %add3A_99, %add3A_128 : i32
        %mul3A_130 = arith.constant 128 : i32
        %mul3A_131 = arith.muli %add3A_129, %mul3A_130 : i32
        %dma_wait3A_132 = arith.constant 1 : i32
        %dma_wait3A_133 = arith.constant 0 : i32
        %dma_wait3A_134 = arith.constant 0 : i32
        %dma_wait3A_135 = tpu.memref_slice %arg8[%dma_wait3A_132, %dma_wait3A_133, %dma_wait3A_134] : memref<2x128x32xf32, #tpu.memory_space<vmem>> -> memref<1x128x32xf32, #tpu.memory_space<vmem>>
        %dma_wait3A_136 = tpu.memref_squeeze %dma_wait3A_135 : memref<1x128x32xf32, #tpu.memory_space<vmem>> -> memref<128x32xf32, #tpu.memory_space<vmem>>
        %dma_wait3A_137 = tpu.memref_slice %arg7[%mul3A_131] : memref<10112xi32, #tpu.memory_space<vmem>> -> memref<128xi32, #tpu.memory_space<vmem>>
        %dma_wait3A_138 = arith.constant 0 : i32
        %dma_wait3A_139 = arith.constant 0 : i32
        %dma_wait3A_140 = tpu.memref_slice %arg10[%dma_wait3A_138, %dma_wait3A_139] : memref<10000x32xf32, #tpu.memory_space<vmem_shared>> -> memref<10000x32xf32, #tpu.memory_space<vmem_shared>>
        tpu.wait_indirect_dma semaphore(%arg14 : memref<!tpu.dma_semaphore, #tpu.memory_space<semaphore_mem>>) src(%dma_wait3A_136 : memref<128x32xf32, #tpu.memory_space<vmem>>) dst(%dma_wait3A_140 : memref<10000x32xf32, #tpu.memory_space<vmem_shared>>)
        %add3A_141 = arith.constant 1 : i32
        %add3A_142 = arith.addi %add3A_99, %add3A_141 : i32
        %add3A_143 = arith.constant 2 : i32
        %add3A_144 = arith.addi %add3A_142, %add3A_143 : i32
        %mul3A_145 = arith.constant 128 : i32
        %mul3A_146 = arith.muli %add3A_144, %mul3A_145 : i32
        %dma_start3A = arith.constant 1 : i32
        %dma_start3A_147 = arith.constant 0 : i32
        %dma_start3A_148 = arith.constant 0 : i32
        %dma_start3A_149 = tpu.memref_slice %arg8[%dma_start3A, %dma_start3A_147, %dma_start3A_148] : memref<2x128x32xf32, #tpu.memory_space<vmem>> -> memref<1x128x32xf32, #tpu.memory_space<vmem>>
        %dma_start3A_150 = tpu.memref_squeeze %dma_start3A_149 : memref<1x128x32xf32, #tpu.memory_space<vmem>> -> memref<128x32xf32, #tpu.memory_space<vmem>>
        %dma_start3A_151 = tpu.memref_slice %arg6[%mul3A_146] : memref<10112xi32, #tpu.memory_space<vmem>> -> memref<128xi32, #tpu.memory_space<vmem>>
        %dma_start3A_152 = arith.constant 0 : i32
        %dma_start3A_153 = arith.constant 0 : i32
        %dma_start3A_154 = tpu.memref_slice %arg9[%dma_start3A_152, %dma_start3A_153] : memref<10000x32xf32, #tpu.memory_space<vmem_shared>> -> memref<10000x32xf32, #tpu.memory_space<vmem_shared>>
        tpu.enqueue_indirect_dma source(%dma_start3A_154 : memref<10000x32xf32, #tpu.memory_space<vmem_shared>>) target(%dma_start3A_150 : memref<128x32xf32, #tpu.memory_space<vmem>>) offsets(%dma_start3A_151 : memref<128xi32, #tpu.memory_space<vmem>>) semaphore(%arg12 : memref<!tpu.dma_semaphore, #tpu.memory_space<semaphore_mem>>)
      } else {
      }
    }
    %dma_wait3A = arith.constant 0 : i32
    %dma_wait3A_73 = arith.constant 0 : i32
    %dma_wait3A_74 = arith.constant 0 : i32
    %dma_wait3A_75 = tpu.memref_slice %arg8[%dma_wait3A, %dma_wait3A_73, %dma_wait3A_74] : memref<2x128x32xf32, #tpu.memory_space<vmem>> -> memref<1x128x32xf32, #tpu.memory_space<vmem>>
    %dma_wait3A_76 = tpu.memref_squeeze %dma_wait3A_75 : memref<1x128x32xf32, #tpu.memory_space<vmem>> -> memref<128x32xf32, #tpu.memory_space<vmem>>
    %dma_wait3A_77 = arith.constant 0 : i32
    %dma_wait3A_78 = tpu.memref_slice %arg7[%dma_wait3A_77] : memref<10112xi32, #tpu.memory_space<vmem>> -> memref<128xi32, #tpu.memory_space<vmem>>
    %dma_wait3A_79 = arith.constant 0 : i32
    %dma_wait3A_80 = arith.constant 0 : i32
    %dma_wait3A_81 = tpu.memref_slice %arg10[%dma_wait3A_79, %dma_wait3A_80] : memref<10000x32xf32, #tpu.memory_space<vmem_shared>> -> memref<10000x32xf32, #tpu.memory_space<vmem_shared>>
    tpu.wait_indirect_dma semaphore(%arg13 : memref<!tpu.dma_semaphore, #tpu.memory_space<semaphore_mem>>) src(%dma_wait3A_76 : memref<128x32xf32, #tpu.memory_space<vmem>>) dst(%dma_wait3A_81 : memref<10000x32xf32, #tpu.memory_space<vmem_shared>>)
    %dma_wait3A_82 = arith.constant 1 : i32
    %dma_wait3A_83 = arith.constant 0 : i32
    %dma_wait3A_84 = arith.constant 0 : i32
    %dma_wait3A_85 = tpu.memref_slice %arg8[%dma_wait3A_82, %dma_wait3A_83, %dma_wait3A_84] : memref<2x128x32xf32, #tpu.memory_space<vmem>> -> memref<1x128x32xf32, #tpu.memory_space<vmem>>
    %dma_wait3A_86 = tpu.memref_squeeze %dma_wait3A_85 : memref<1x128x32xf32, #tpu.memory_space<vmem>> -> memref<128x32xf32, #tpu.memory_space<vmem>>
    %dma_wait3A_87 = arith.constant 0 : i32
    %dma_wait3A_88 = tpu.memref_slice %arg7[%dma_wait3A_87] : memref<10112xi32, #tpu.memory_space<vmem>> -> memref<128xi32, #tpu.memory_space<vmem>>
    %dma_wait3A_89 = arith.constant 0 : i32
    %dma_wait3A_90 = arith.constant 0 : i32
    %dma_wait3A_91 = tpu.memref_slice %arg10[%dma_wait3A_89, %dma_wait3A_90] : memref<10000x32xf32, #tpu.memory_space<vmem_shared>> -> memref<10000x32xf32, #tpu.memory_space<vmem_shared>>
    tpu.wait_indirect_dma semaphore(%arg14 : memref<!tpu.dma_semaphore, #tpu.memory_space<semaphore_mem>>) src(%dma_wait3A_86 : memref<128x32xf32, #tpu.memory_space<vmem>>) dst(%dma_wait3A_91 : memref<10000x32xf32, #tpu.memory_space<vmem_shared>>)
    %barrier3A_92 = arith.constant 0 : index
    tpu.barrier barrier_id(%barrier3A_92)
    %mul3A_93 = arith.constant 625 : i32
    %mul3A_94 = arith.muli %arg1, %mul3A_93 : i32
    %mul3A_95 = arith.constant 625 : i32
    %mul3A_96 = arith.muli %arg1, %mul3A_95 : i32
    "tpu.region"() ({
      %run_scoped3A_97 = tpu.sem_alloc : memref<!tpu.dma_semaphore, #tpu.memory_space<semaphore_mem>>
      %dma_start3A = arith.constant 0 : i32
      %dma_start3A_98 = tpu.memref_slice %arg5[%arg0, %mul3A_96, %dma_start3A] : memref<2x10000x128xf32, #tpu.memory_space<hbm>> -> memref<1x625x32xf32, #tpu.memory_space<hbm>>
      %dma_start3A_99 = tpu.memref_squeeze %dma_start3A_98 : memref<1x625x32xf32, #tpu.memory_space<hbm>> -> memref<625x32xf32, #tpu.memory_space<hbm>>
      %dma_start3A_100 = arith.constant 0 : i32
      %dma_start3A_101 = tpu.memref_slice %arg10[%mul3A_94, %dma_start3A_100] : memref<10000x32xf32, #tpu.memory_space<vmem_shared>> -> memref<625x32xf32, #tpu.memory_space<vmem_shared>>
      tpu.enqueue_dma source(%dma_start3A_101 : memref<625x32xf32, #tpu.memory_space<vmem_shared>>) target(%dma_start3A_99 : memref<625x32xf32, #tpu.memory_space<hbm>>) target_semaphore(%run_scoped3A_97 : memref<!tpu.dma_semaphore, #tpu.memory_space<semaphore_mem>>)
      %dma_wait3A_102 = arith.constant 0 : i32
      %dma_wait3A_103 = tpu.memref_slice %arg5[%arg0, %mul3A_96, %dma_wait3A_102] : memref<2x10000x128xf32, #tpu.memory_space<hbm>> -> memref<1x625x32xf32, #tpu.memory_space<hbm>>
      %dma_wait3A_104 = tpu.memref_squeeze %dma_wait3A_103 : memref<1x625x32xf32, #tpu.memory_space<hbm>> -> memref<625x32xf32, #tpu.memory_space<hbm>>
      %dma_wait3A_105 = arith.constant 0 : i32
      %dma_wait3A_106 = tpu.memref_slice %arg10[%mul3A_94, %dma_wait3A_105] : memref<10000x32xf32, #tpu.memory_space<vmem_shared>> -> memref<625x32xf32, #tpu.memory_space<vmem_shared>>
      tpu.wait_dma2 semaphore(%run_scoped3A_97 : memref<!tpu.dma_semaphore, #tpu.memory_space<semaphore_mem>>) src(%dma_wait3A_106 : memref<625x32xf32, #tpu.memory_space<vmem_shared>>) dst(%dma_wait3A_104 : memref<625x32xf32, #tpu.memory_space<hbm>>)
      tpu.yield
    }) : () -> ()
    return
  }
}

module attributes {stable_mosaic.version = 14 : i64} {
  func.func @body(%arg0: i32, %arg1: memref<1x2000x128xf32, #tpu.memory_space<vmem>>, %arg2: memref<1x2000x128xf32, #tpu.memory_space<vmem>>, %arg3: memref<1x32xf32, #tpu.memory_space<vmem>>, %arg4: memref<32x128xf32, #tpu.memory_space<vmem>>, %arg5: memref<2000x32xf32, #tpu.memory_space<vmem>>, %arg6: memref<2000x128xf32, #tpu.memory_space<vmem>>) attributes {dimension_semantics = [#tpu.dimension_semantics<arbitrary>], iteration_bounds = array<i64: 5>, scalar_prefetch = 0 : i64, scratch_operands = 0 : i64, tpu.core_type = #tpu.core_type<tc>, window_params = [{transform_indices = @transform_0, window_bounds = array<i64: 1, 2000, 128>}, {transform_indices = @transform_1, window_bounds = array<i64: 1, 2000, 128>}, {pipeline_mode = #tpu.pipeline_mode<synchronous>, transform_indices = @transform_2, window_bounds = array<i64: 1, 32>}, {pipeline_mode = #tpu.pipeline_mode<synchronous>, transform_indices = @transform_3, window_bounds = array<i64: 32, 128>}, {transform_indices = @transform_4, window_bounds = array<i64: 2000, 32>}, {transform_indices = @transform_5, window_bounds = array<i64: 2000, 128>}]} {
    %get3A = arith.constant 0 : index
    %get3A_0 = arith.constant 0 : index
    %get3A_1 = arith.constant 0 : index
    %get3A_2 = vector.load %arg1[%get3A, %get3A_0, %get3A_1] : memref<1x2000x128xf32, #tpu.memory_space<vmem>>, vector<1x2000x32xf32>
    %get3A_3 = vector.shape_cast %get3A_2 : vector<1x2000x32xf32> to vector<2000x32xf32>
    %get3A_4 = arith.constant 0 : index
    %get3A_5 = arith.constant 0 : index
    %get3A_6 = arith.constant 0 : index
    %get3A_7 = vector.load %arg2[%get3A_4, %get3A_5, %get3A_6] : memref<1x2000x128xf32, #tpu.memory_space<vmem>>, vector<1x2000x32xf32>
    %get3A_8 = vector.shape_cast %get3A_7 : vector<1x2000x32xf32> to vector<2000x32xf32>
    %add3A = arith.addf %get3A_3, %get3A_8 : vector<2000x32xf32>
    %get3A_9 = arith.constant 0 : index
    %get3A_10 = arith.constant 0 : index
    %get3A_11 = vector.load %arg3[%get3A_9, %get3A_10] : memref<1x32xf32, #tpu.memory_space<vmem>>, vector<1x32xf32>
    %add3A_12 = vector.broadcast %get3A_11 : vector<1x32xf32> to vector<2000x32xf32>
    %add3A_13 = arith.addf %add3A, %add3A_12 : vector<2000x32xf32>
    %swap3A = arith.constant 0 : index
    %swap3A_14 = arith.constant 0 : index
    %swap3A_15 = vector.load %arg5[%swap3A, %swap3A_14] : memref<2000x32xf32, #tpu.memory_space<vmem>>, vector<2000x32xf32>
    tpu.vector_store %arg5[%swap3A, %swap3A_14], %add3A_13 {strides = array<i32>} : memref<2000x32xf32, #tpu.memory_space<vmem>>, vector<2000x32xf32>,
    %get3A_16 = arith.constant 0 : index
    %get3A_17 = arith.constant 0 : index
    %get3A_18 = vector.load %arg4[%get3A_16, %get3A_17] : memref<32x128xf32, #tpu.memory_space<vmem>>, vector<32x128xf32>
    %dot_general3A = arith.constant dense<0.000000e+00> : vector<2000x128xf32>
    %dot_general3A_19 = tpu.matmul %add3A_13, %get3A_18, %dot_general3A {dimension_numbers = #tpu.dot_dimension_numbers<[1], [0], [0], [1], [0, 0, 1, 1], [], []>, transpose_lhs_hint = false} : vector<2000x32xf32>, vector<32x128xf32>, vector<2000x128xf32> -> vector<2000x128xf32>
    %swap3A_20 = arith.constant 0 : index
    %swap3A_21 = arith.constant 0 : index
    %swap3A_22 = vector.load %arg6[%swap3A_20, %swap3A_21] : memref<2000x128xf32, #tpu.memory_space<vmem>>, vector<2000x128xf32>
    tpu.vector_store %arg6[%swap3A_20, %swap3A_21], %dot_general3A_19 {strides = array<i32>} : memref<2000x128xf32, #tpu.memory_space<vmem>>, vector<2000x128xf32>,
    return
  }
  func.func @transform_0(%arg0: i32) -> (i32, i32, i32) {
    %c0_i32 = arith.constant 0 : i32
    %c0_i32_0 = arith.constant 0 : i32
    %c0_i32_1 = arith.constant 0 : i32
    return %c0_i32, %arg0, %c0_i32_0 : i32, i32, i32
  }
  func.func @transform_1(%arg0: i32) -> (i32, i32, i32) {
    %c1_i32 = arith.constant 1 : i32
    %c0_i32 = arith.constant 0 : i32
    %c0_i32_0 = arith.constant 0 : i32
    return %c1_i32, %arg0, %c0_i32 : i32, i32, i32
  }
  func.func @transform_2(%arg0: i32) -> (i32, i32) {
    %c0_i32 = arith.constant 0 : i32
    %c0_i32_0 = arith.constant 0 : i32
    %c0_i32_1 = arith.constant 0 : i32
    return %c0_i32, %c0_i32_0 : i32, i32
  }
  func.func @transform_3(%arg0: i32) -> (i32, i32) {
    %c0_i32 = arith.constant 0 : i32
    %c0_i32_0 = arith.constant 0 : i32
    %c0_i32_1 = arith.constant 0 : i32
    return %c0_i32, %c0_i32_0 : i32, i32
  }
  func.func @transform_4(%arg0: i32) -> (i32, i32) {
    %c0_i32 = arith.constant 0 : i32
    %c0_i32_0 = arith.constant 0 : i32
    return %arg0, %c0_i32 : i32, i32
  }
  func.func @transform_5(%arg0: i32) -> (i32, i32) {
    %c0_i32 = arith.constant 0 : i32
    %c0_i32_0 = arith.constant 0 : i32
    return %arg0, %c0_i32 : i32, i32
  }
}

module attributes {stable_mosaic.version = 14 : i64} {
  func.func @body(%arg0: i32, %arg1: memref<2000x128xf32, #tpu.memory_space<vmem>>, %arg2: memref<128x32xf32, #tpu.memory_space<vmem>>, %arg3: memref<2x64000xi32, #tpu.memory_space<vmem>>, %arg4: memref<2000x128xf32, #tpu.memory_space<vmem>>, %arg5: memref<320000xi32, #tpu.memory_space<vmem>>, %arg6: memref<320000xi32, #tpu.memory_space<vmem>>) attributes {dimension_semantics = [#tpu.dimension_semantics<arbitrary>], iteration_bounds = array<i64: 5>, scalar_prefetch = 0 : i64, scratch_operands = 0 : i64, tpu.core_type = #tpu.core_type<tc>, window_params = [{transform_indices = @transform_0, window_bounds = array<i64: 2000, 128>}, {pipeline_mode = #tpu.pipeline_mode<synchronous>, transform_indices = @transform_1, window_bounds = array<i64: 128, 32>}, {transform_indices = @transform_2, window_bounds = array<i64: 2, 64000>}, {transform_indices = @transform_3, window_bounds = array<i64: 2000, 128>}, {pipeline_mode = #tpu.pipeline_mode<synchronous>, transform_indices = @transform_4, window_bounds = array<i64: 320000>}, {pipeline_mode = #tpu.pipeline_mode<synchronous>, transform_indices = @transform_5, window_bounds = array<i64: 320000>}]} {
    %get3A = arith.constant 0 : index
    %get3A_0 = arith.constant 0 : index
    %get3A_1 = vector.load %arg1[%get3A, %get3A_0] : memref<2000x128xf32, #tpu.memory_space<vmem>>, vector<2000x128xf32>
    %get3A_2 = arith.constant 0 : index
    %get3A_3 = arith.constant 0 : index
    %get3A_4 = vector.load %arg2[%get3A_2, %get3A_3] : memref<128x32xf32, #tpu.memory_space<vmem>>, vector<128x32xf32>
    %dot_general3A = arith.constant dense<0.000000e+00> : vector<2000x32xf32>
    %dot_general3A_5 = tpu.matmul %get3A_1, %get3A_4, %dot_general3A {dimension_numbers = #tpu.dot_dimension_numbers<[1], [0], [0], [1], [0, 0, 1, 1], [], []>, transpose_lhs_hint = false} : vector<2000x128xf32>, vector<128x32xf32>, vector<2000x32xf32> -> vector<2000x32xf32>
    %jit3A = arith.constant 0 : i32
    %convert_element_type3A = arith.sitofp %jit3A : i32 to f32
    %pad3A = vector.broadcast %convert_element_type3A : f32 to vector<2000x96xf32>
    %pad3A_6 = tpu.concatenate %dot_general3A_5, %pad3A in 1 : vector<2000x32xf32>, vector<2000x96xf32> -> vector<2000x128xf32>
    %swap3A = arith.constant 0 : index
    %swap3A_7 = arith.constant 0 : index
    %swap3A_8 = vector.load %arg4[%swap3A, %swap3A_7] : memref<2000x128xf32, #tpu.memory_space<vmem>>, vector<2000x128xf32>
    tpu.vector_store %arg4[%swap3A, %swap3A_7], %pad3A_6 {strides = array<i32>} : memref<2000x128xf32, #tpu.memory_space<vmem>>, vector<2000x128xf32>,
    %get3A_9 = arith.constant 0 : index
    %get3A_10 = arith.constant 0 : index
    %get3A_11 = vector.load %arg3[%get3A_9, %get3A_10] : memref<2x64000xi32, #tpu.memory_space<vmem>>, vector<1x64000xi32>
    %get3A_12 = vector.shape_cast %get3A_11 : vector<1x64000xi32> to vector<64000xi32>
    %mul3A = arith.constant 64000 : i32
    %mul3A_13 = arith.muli %arg0, %mul3A : i32
    %swap3A_14 = arith.index_cast %mul3A_13 : i32 to index
    %swap3A_15 = vector.load %arg5[%swap3A_14] : memref<320000xi32, #tpu.memory_space<vmem>>, vector<64000xi32>
    tpu.vector_store %arg5[%swap3A_14], %get3A_12 {strides = array<i32>} : memref<320000xi32, #tpu.memory_space<vmem>>, vector<64000xi32>,
    %get3A_16 = arith.constant 1 : index
    %get3A_17 = arith.constant 0 : index
    %get3A_18 = vector.load %arg3[%get3A_16, %get3A_17] : memref<2x64000xi32, #tpu.memory_space<vmem>>, vector<1x64000xi32>
    %get3A_19 = vector.shape_cast %get3A_18 : vector<1x64000xi32> to vector<64000xi32>
    %mul3A_20 = arith.constant 64000 : i32
    %mul3A_21 = arith.muli %arg0, %mul3A_20 : i32
    %swap3A_22 = arith.index_cast %mul3A_21 : i32 to index
    %swap3A_23 = vector.load %arg6[%swap3A_22] : memref<320000xi32, #tpu.memory_space<vmem>>, vector<64000xi32>
    tpu.vector_store %arg6[%swap3A_22], %get3A_19 {strides = array<i32>} : memref<320000xi32, #tpu.memory_space<vmem>>, vector<64000xi32>,
    return
  }
  func.func @transform_0(%arg0: i32) -> (i32, i32) {
    %c0_i32 = arith.constant 0 : i32
    %c0_i32_0 = arith.constant 0 : i32
    return %arg0, %c0_i32 : i32, i32
  }
  func.func @transform_1(%arg0: i32) -> (i32, i32) {
    %c0_i32 = arith.constant 0 : i32
    %c0_i32_0 = arith.constant 0 : i32
    %c0_i32_1 = arith.constant 0 : i32
    return %c0_i32, %c0_i32_0 : i32, i32
  }
  func.func @transform_2(%arg0: i32) -> (i32, i32) {
    %c0_i32 = arith.constant 0 : i32
    %c0_i32_0 = arith.constant 0 : i32
    return %c0_i32, %arg0 : i32, i32
  }
  func.func @transform_3(%arg0: i32) -> (i32, i32) {
    %c0_i32 = arith.constant 0 : i32
    %c0_i32_0 = arith.constant 0 : i32
    return %arg0, %c0_i32 : i32, i32
  }
  func.func @transform_4(%arg0: i32) -> i32 {
    %c0_i32 = arith.constant 0 : i32
    %c0_i32_0 = arith.constant 0 : i32
    return %c0_i32 : i32
  }
  func.func @transform_5(%arg0: i32) -> i32 {
    %c0_i32 = arith.constant 0 : i32
    %c0_i32_0 = arith.constant 0 : i32
    return %c0_i32 : i32
  }
}

</mosaic_0001>

<sc_bundles>
// kernel: kernel.5.cloned.1.call-start
scs
__scs_entry_jumppad:
0x0: {  	(pc) =	sbr.rel $0x88, $3  }
0x1: {  	(tag) =	ssettag $0x0;
	lr =	simm.s32 $0x1  }
0x2: {  	[smem:$0x3F9C] =	sst lr;
	_ =	strace $0xD0000000  }
0x3: {  	_ = 	snop  }
0x4: {  	_ = 	snop  }
0x5: {  	_ = 	snop  }
0x6: {  	_ = 	snop  }
0x7: {  	_ = 	snop  }
__scs_overlays_trampoline_lowered:
0x8: {  	[smem:$0x3FAB] =	sst s0  }
0x9: {  	[smem:$0x3FAC] =	sst s1  }
0xa: {  	[smem:$0x3FAD] =	sst s2  }
0xb: {  	[smem:$0x3FAE] =	sst s3  }
0xc: {  	[smem:$0x3FAF] =	sst s4  }
0xd: {  	[smem:$0x3FB0] =	sst s5  }
0xe: {  	[smem:$0x3FB1] =	sst s6  }
0xf: {  	[smem:$0x3FB2] =	sst s7  }
0x10: {  	[smem:$0x3FB3] =	sst s8  }
0x11: {  	[smem:$0x3FB4] =	sst s9;
	s0 =	simm.s32 @!p0 $0x0  }
0x12: {  	s1 =	sld [smem:$0x3F9A];
	s0 =	simm.s32 @p0 $0x1  }
0x13: {  	[smem:$0x3FB5] =	sst s0;
	s0 =	simm.s32 @!p1 $0x0  }
0x14: {  	s2 =	sld [smem:$0x3F99];
	s0 =	simm.s32 @p1 $0x1  }
0x15: {  	[smem:$0x3FB6] =	sst s0;
	s0 =	simm.s32 @!p2 $0x0  }
0x16: {  	s3 =	sld [smem:$0x3FDB];
	s0 =	simm.s32 @p2 $0x1  }
0x17: {  	s4 =	simm.s32 $0x1BF5;
	[smem:$0x3FB8] =	sst s0  }
0x18: {  	s0 =	sld [smem:$0x3F9B];
	_ =	swait.ge [sflag:s4], $0x0  }
0x19: {  	s7 =	sld [smem:$0x3F9C]  }
0x1a: {  	s8 =	sadd.s32 $0xFFFFE003, lr  }
0x1b: {  	s9 =	sadd.s32 $0xFFFFFEF7, lr;
	s5 =	simm.s32 $0xFFFFFFFF;
	p2 =	slt.u32 s8, $0xFFFFF086  }
0x1c: {  	p1 =	slt.u32 s9, $0xF7A;
	s5 =	simm.s32 @!p2 $0x0  }
0x1d: {  	s5 =	simm.s32 @p1 $0x1;
	p0 =	seq.s32 s7, s2  }
0x1e: {  	s7 =	smul.u32 @!p0 $0xF7A, s2;
	p2 =	seq.s32 @!p0 s5, $0x0  }
0x1f: {  	s9 =	smul.u32 $0xF7A, s1;
	s8 =	simm.s32 @!p0 $0x1BF5;
	p2 =	por !p2, p0  }
0x20: {  	[sflag:s8] =	ssyncset.s32 @!p0 $0xFFFFF086;
	s6 =	sadd.s32 @!p0 s3, s7;
	s7 =	simm.s32 @!p0 $0x108  }
0x21: {  	s3 =	sadd.s32 s3, s9;
	s6 =	sadd.s32 @!p0 $0x88, s6;
	s7 =	simm.s32 @p2 $0x1082  }
0x22: {  	[simem:s7], [sflag:s8] =	dma.local @!p0 [hbm:s6], $0xF7A  }
0x23: {  	s9 =	sor.u32 $0xD0000000, s2;
	s6 =	simm.s32 $0x108;
	_ =	swait.ge @!p0 [sflag:s8], $0x0  }
0x24: {  	s3 =	sadd.s32 $0x88, s3;
	s6 =	simm.s32 @!p1 $0x1082;
	[sflag:s4] =	ssyncset.s32 $0xFFFFF086  }
0x25: {  	[simem:s6], [sflag:s4] =	dma.local [hbm:s3], $0xF7A  }
0x26: {  	[smem:$0x3F9C] =	sst s1;
	(tag) =	ssettag s2;
	_ =	strace s9  }
0x27: {  	s1 =	sld [smem:$0x3FAC]  }
0x28: {  	s2 =	sld [smem:$0x3FAD]  }
0x29: {  	s4 =	sld [smem:$0x3FAF]  }
0x2a: {  	p0 =	seq.s32 s5, $0x0;
	s5 =	sld [smem:$0x3FB0]  }
0x2b: {  	s6 =	sld [smem:$0x3FB1]  }
0x2c: {  	s7 =	sld [smem:$0x3FB2]  }
0x2d: {  	s3 =	simm.s32 $0x108;
	s8 =	sld [smem:$0x3FB3]  }
0x2e: {  	s3 =	simm.s32 @!p0 $0x1082;
	s9 =	sld [smem:$0x3FB4]  }
0x2f: {  	lr =	sadd.s32 s0, s3;
	s0 =	sld [smem:$0x3FAB]  }
0x30: {  	s3 =	sld [smem:$0x3FAE]  }
0x31: {  	[smem:$0x3FB7] =	sst s10  }
0x32: {  	s10 =	sld [smem:$0x3FB5];
	_ =	sdelay $0x3  }
0x33: {  	p0 =	seq.s32 s10, $0x1;
	s10 =	sld [smem:$0x3FB7];
	_ =	sdelay $0x3  }
0x34: {  	[smem:$0x3FB7] =	sst s10  }
0x35: {  	s10 =	sld [smem:$0x3FB6];
	_ =	sdelay $0x3  }
0x36: {  	p1 =	seq.s32 s10, $0x1;
	s10 =	sld [smem:$0x3FB7];
	_ =	sdelay $0x3  }
0x37: {  	[smem:$0x3FB7] =	sst s10  }
0x38: {  	s10 =	sld [smem:$0x3FB8]  }
0x39: {  	_ = 	snop;
	(pc) =	sbr.ind lr, $3  }
0x3a: {  	_ = 	snop  }
0x3b: {  	_ = 	snop  }
0x3c: {  	p2 =	seq.s32 s10, $0x1;
	s10 =	sld [smem:$0x3FB7]  }
0x3d: {  	_ =	shalt  }
0x3e: {  	_ =	shalt  }
0x3f: {  	_ =	shalt  }
0x40: {  	_ =	shalt  }
0x41: {  	_ =	shalt  }
0x42: {  	_ =	shalt  }
0x43: {  	_ =	shalt  }
0x44: {  	_ =	shalt  }
0x45: {  	_ =	shalt  }
0x46: {  	_ =	shalt  }
0x47: {  	_ =	shalt  }
0x48: {  	_ =	shalt  }
0x49: {  	_ =	shalt  }
0x4a: {  	_ =	shalt  }
0x4b: {  	_ =	shalt  }
0x4c: {  	_ =	shalt  }
0x4d: {  	_ =	shalt  }
0x4e: {  	_ =	shalt  }
0x4f: {  	_ =	shalt  }
0x50: {  	_ =	shalt  }
0x51: {  	_ =	shalt  }
0x52: {  	_ =	shalt  }
0x53: {  	_ =	shalt  }
0x54: {  	_ =	shalt  }
0x55: {  	_ =	shalt  }
0x56: {  	_ =	shalt  }
0x57: {  	_ =	shalt  }
0x58: {  	_ =	shalt  }
0x59: {  	_ =	shalt  }
0x5a: {  	_ =	shalt  }
0x5b: {  	_ =	shalt  }
0x5c: {  	_ =	shalt  }
0x5d: {  	_ =	shalt  }
0x5e: {  	_ =	shalt  }
0x5f: {  	_ =	shalt  }
0x60: {  	_ =	shalt  }
0x61: {  	_ =	shalt  }
0x62: {  	_ =	shalt  }
0x63: {  	_ =	shalt  }
0x64: {  	_ =	shalt  }
0x65: {  	_ =	shalt  }
0x66: {  	_ =	shalt  }
0x67: {  	_ =	shalt  }
0x68: {  	_ =	shalt  }
0x69: {  	_ =	shalt  }
0x6a: {  	_ =	shalt  }
0x6b: {  	_ =	shalt  }
0x6c: {  	_ =	shalt  }
0x6d: {  	_ =	shalt  }
0x6e: {  	_ =	shalt  }
0x6f: {  	_ =	shalt  }
0x70: {  	_ =	shalt  }
0x71: {  	_ =	shalt  }
0x72: {  	_ =	shalt  }
0x73: {  	_ =	shalt  }
0x74: {  	_ =	shalt  }
0x75: {  	_ =	shalt  }
0x76: {  	_ =	shalt  }
0x77: {  	_ =	shalt  }
0x78: {  	_ =	shalt  }
0x79: {  	_ =	shalt  }
0x7a: {  	_ =	shalt  }
0x7b: {  	_ =	shalt  }
0x7c: {  	_ =	shalt  }
0x7d: {  	_ =	shalt  }
0x7e: {  	_ =	shalt  }
0x7f: {  	_ =	shalt  }
0x80: {  	_ =	shalt  }
0x81: {  	_ =	shalt  }
0x82: {  	_ =	shalt  }
0x83: {  	_ =	shalt  }
0x84: {  	_ =	shalt  }
0x85: {  	_ =	shalt  }
0x86: {  	_ =	shalt  }
0x87: {  	_ =	shalt  }
.Lfunc_end0:
.L_simem_size_0:
called_computation_lowered:
.L_overlay_start_0:
0x88: {  	s2 =	sld [smem:$0x3FD9]  }
0x89: {  	s3 =	sld [smem:$0x3FFE];
	_ =	sdelay $0x1  }
0x8a: {  	s1 =	srdreg.scid  }
0x8b: {  	s0 =	sand.u32 $0x1, s1  }
0x8c: {  	s14 =	sshll.u32 s0, $0xA;
	s2 =	sadd.s32 s3, s2  }
0x8d: {  	s2 =	sadd.s32 s2, s14  }
0x8e: {  	[smem:$0x3FC3] =	sst s2  }
0x8f: {  	_ = 	snop  }
0x90: {  	s2 =	sld [smem:$0x3FD0];
	_ =	sdelay $0x2  }
0x91: {  	s15 =	simm.s32 $0xA;
	s4 =	simm.s32 $0x10  }
0x92: {  	[smem:s4], [sflag:s15] =	dma.local [hbm:s2], $0x1  }
0x93: {  	_ =	swait.eq [sflag:s15], $0x1  }
0x94: {  	[sflag:s15] =	ssyncset.done $0x0  }
0x95: {  	s16 =	sld [smem:$0x10];
	[sflag:s15] =	ssyncadd.s32 $0xFFFFFFFF  }
0x96: {  	s17 =	sld [smem:$0x11];
	(tm) =	ssettm $0x1  }
0x97: {  	s18 =	sld [smem:$0x3FFB];
	_ =	sdelay $0x3  }
0x98: {  	_ =	strace s18  }
0x99: {  	s4 =	sld [smem:$0x3FFC];
	_ =	sdelay $0x3  }
0x9a: {  	_ =	strace s4  }
0x9b: {  	s4 =	sld [smem:$0x3FFD];
	_ =	sdelay $0x3  }
0x9c: {  	_ =	strace s4  }
0x9d: {  	_ =	strace $0x8FFFFFFF  }
0x9e: {  	s19 =	sld [smem:$0x3FDB];
	_ =	sdelay $0x1  }
0x9f: {  	s5 =	simm.s32 $_scs_section_size  }
0xa0: {  	s6 =	simm.s32 $_size__tile_overlayer_lowered;
	s7 =	simm.s32 $_tile_overlayer_lowered  }
0xa1: {  	s22 =	simm.s32 $0x1BFF;
	s21 =	sshll.u32 s7, $0x1;
	s4 =	sadd.s32 s5, s19  }
0xa2: {  	s8 =	simm.s32 $0x0;
	s20 =	sshll.u32 s6, $0x1;
	s6 =	sadd.s32 s21, s4  }
0xa3: {  	[timem:s8], [sflag:s22] =	dma.local [hbm:s6], s20  }
0xa4: {  	_ =	swait.ge [sflag:s22], s20  }
0xa5: {  	s5 =	ssub.s32 $0x0, s20;
	[sflag:s22] =	ssyncset.done $0x0  }
0xa6: {  	[sflag:s22] =	ssyncadd.s32 s5;
	_ =	sdelay $0x1  }
0xa7: {  	s23 =	simm.s32 $0x1B8B  }
0xa8: {  	_ =	swait.ge [sflag:s23], $0x1  }
0xa9: {  	[sflag:s23] =	ssyncset.done $0x0  }
0xaa: {  	s25 =	simm.s32 $0x1B8E;
	s24 =	sld [smem:$0x3FFE];
	[sflag:s23] =	ssyncadd.s32 $0xFFFFFFFF  }
0xab: {  	s26 =	simm.s32 $execute0_lowered;
	[smem:$0x3FD2] =	sst s25  }
0xac: {  	s6 =	sshll.u32 s26, $0x1;
	_ =	strace $0x80000046;
	[dreg:$0x1] =	wrdreg $0xFFFFFFFF  }
0xad: {  	s28 =	simm.s32 $_size_execute0_lowered;
	s4 =	sadd.s32 s4, s6;
	[dreg:$0x0] =	wrdreg $0x0  }
0xae: {  	s6 =	sshll.u32 s28, $0x1;
	[dreg:$0x2] =	wrdreg s4  }
0xaf: {  	[dreg:$0x3] =	wrdreg s6  }
0xb0: {  	[dreg:$0x4] =	wrdreg $0xC0  }
0xb1: {  	_ =	task [dreg:s8], $0x5FFFF  }
0xb2: {  	[dreg:$0x1] =	wrdreg $0xFFFFFFFF  }
0xb3: {  	[dreg:$0x0] =	wrdreg $0x60  }
0xb4: {  	[dreg:$0x2] =	wrdreg s16  }
0xb5: {  	[dreg:$0x3] =	wrdreg s24  }
0xb6: {  	[dreg:$0x4] =	wrdreg s17  }
0xb7: {  	[dreg:$0x5] =	wrdreg $0xBD200  }
0xb8: {  	[dreg:$0x6] =	wrdreg $0x6F000  }
0xb9: {  	[dreg:$0x7] =	wrdreg $0x9  }
0xba: {  	_ =	task.clear_ibuf [dreg:s8], $0x8FFFF;
	_ =	strace $0x90000046  }
0xbb: {  	s29 =	simm.s32 $0x9;
	_ =	strace $0x80000048  }
0xbc: {  	_ =	swait.ge [sflag:s29], $0x1  }
0xbd: {  	[sflag:s29] =	ssyncadd.s32 $0xFFFFFFFF  }
0xbe: {  	_ =	strace $0x90000048  }
0xbf: {  	_ =	sfence  }
0xc0: {  	s30 =	sld [smem:$0x0];
	_ =	sdelay $0x2  }
0xc1: {  	s31 =	sshll.u32 s1, $0xD;
	s1 =	sshrl.u32 s1, $0x2  }
0xc2: {  	s3 =	sand.u32 $0x4000, s31;
	s1 =	sadd.s32 s1, s30  }
0xc3: {  	s0 =	sor.u32 s3, s0;
	s1 =	sshll.u32 s1, $0x11  }
0xc4: {  	s0 =	sor.u32 s1, s0  }
0xc5: {  	s0 =	sadd.s32 $0x8F2B, s0  }
0xc6: {  	[sflag:s0] =	ssyncadd.remote.s32 $0x1  }
0xc7: {  	_ =	sfence.sel $0xFFFF  }
0xc8: {  	[dreg:$0x0] =	wrdreg $0xFFFFFFFF;
	(pc) =	sbr.abs _section_cstart, $3  }
0xc9: {  	[dreg:$0x1] =	wrdreg $0xFFFFFFFF  }
0xca: {  	_ =	task.clear_ibuf [dreg:s8], $0x2FFFF;
	_ =	strace $0x9FFFFFFF  }
0xcb: {  	(tm) =	ssettm $0x7FFFFFFF  }
tec
execute0_lowered:
.L_overlay_start_1:
0x0: {  	(tag) =	ssettag $0x1  }
0x1: {  	s0 =	rddreg [dreg:$0x0]  }
0x2: {  	s1 =	rddreg [dreg:$0x1]  }
0x3: {  	s4 =	rddreg [dreg:$0x2]  }
0x4: {  	s2 =	rddreg [dreg:$0x3]  }
0x5: {  	s3 =	rddreg [dreg:$0x4]  }
0x6: {  	s5 =	srdreg.scid;
	s11 =	stileid.u32  }
0x7: {  	s6 =	simm.s32 $0x0;
	s19 =	simm.s32 $0x5;
	s28 =	simm.s32 $0x3  }
0x8: {  	s29 =	simm.s32 $0x0;
	s5 =	sand.u32 $0x1, s5;
	s7 =	smul.u32 $0x13880, s11  }
0x9: {  	[smem:$0x7FF] =	sst s6;
	s8 =	sadd.s32 $0x1800, s1;
	s20 =	smul.u32 $0x138800, s5  }
0xa: {  	_ =	strace $0x80000047;
	s9 =	ssub.s32 $0x2, s5;
	s5 =	sshll.u32 s5, $0x4  }
0xb: {  	s10 =	sshrl.u32 s9, $0x1;
	s18 =	sor.u32 s11, s5;
	s5 =	simm.s32 $0x4F  }
0xc: {  	s11 =	smul.u32 $0x4E20, s11;
	s23 =	sshrl.u32 s7, $0x2;
	s6 =	sadd.s32 s7, s20  }
0xd: {  	s17 =	ssub.s32 s9, s10;
	s21 =	smul.u32 $0x4E, s18;
	p0 =	slt.u32 s18, $0x4  }
0xe: {  	s22 =	smin.u32 s18, $0x4;
	s10 =	sadd.s32 s23, s2;
	s7 =	sshrl.u32 s7, $0x3  }
0xf: {  	s23 =	simm.s32 $0x10;
	s6 =	sshrl.u32 s6, $0x3;
	s5 =	simm.s32 @!p0 $0x4E  }
0x10: {  	s24 =	sadd.s32 $0x1000, s10;
	s25 =	sadd.s32 $0x2000, s10;
	s26 =	sadd.s32 $0x3000, s10  }
0x11: {  	s30 =	sadd.s32 $0x4000, s10;
	s20 =	sadd.s32 s11, s3;
	[dreg:$0x6] =	wrdreg s24  }
0x12: {  	s17 =	smax.u32 s17, $0x1;
	p0 =	sgt.u32 s18, $0x3;
	[dreg:$0x7] =	wrdreg s25  }
0x13: {  	s18 =	simm.s32 $0x4F00;
	s1 =	sadd.s32 s6, s1;
	[dreg:$0x8] =	wrdreg s26  }
0x14: {  	s12 =	sadd.s32 s22, s21;
	s6 =	sadd.s32 s11, s2;
	[dreg:$0x9] =	wrdreg s30  }
0x15: {  	s11 =	sadd.s32 s4, s7;
	s20 =	sshrl.u32 s20, $0x3;
	s21 =	simm.s32 $0x1  }
0x16: {  	s22 =	simm.s32 $0x4;
	s25 =	simm.s32 $0x80;
	s13 =	sshll.u32 s12, $0x4  }
0x17: {  	s16 =	sadd.s32 $0xB600, s1;
	s31 =	sadd.s32 $0x4E0, s13;
	s12 =	sadd.s32 s0, s13  }
0x18: {  	v0 =	vimm.f32 $0.0e+00;
	s13 =	sadd.s32 s8, s13;
	s14 =	sadd.s32 s0, s31;
	s15 =	sadd.s32 s8, s31  }
.LBB2_1:
0x19: {  	s0 =	simm.s32 $0x80;
	s1 =	simm.s32 $0x0  }
.LBB2_2:
0x1a: {  	p1 =	sne.s32 s0, $0x3F80;
	[tilespmem:s1+$0x4F00] =	vst v0;
	s4 =	smov.u32 s0;
	s0 =	sadd.s32 $0x80, s0  }
.Ltmp0:
0x1b: {  	[tilespmem:s1+$0x4F10] =	vst v0;
	(pc) =	sbr.rel @p1 .LBB2_2-.Ltmp0, $2  }
0x1c: {  	_ =	sdelay $0x2  }
0x1d: {  	s1 =	sshra.s32 s4, $0x2  }
0x1e: {  	[tilespmem:s1+$0x4F00] =	vst v0  }
0x1f: {  	[tilespmem:s1+$0x4F10] =	vst v0  }
0x20: {  	[spmem:s6] =	stream.linear.scatter [tilespmem:s18], [sflag:$0x5], $0x1000, $0x38;
	[tilespmem:$0x10B40] =	vst v63  }
0x21: {  	_ =	swait.ge [sflag:s19], $0x1000  }
0x22: {  	[sflag:s19] =	ssyncset.done $0x0  }
0x23: {  	s0 =	rddreg [dreg:$0x6];
	[sflag:s19] =	ssyncadd.s32 $0xFFFFF000  }
0x24: {  	[spmem:s0] =	stream.linear.scatter [tilespmem:s18], [sflag:$0x5], $0x1000, $0x38;
	[tilespmem:$0x10B40] =	vst v63  }
0x25: {  	_ =	swait.ge [sflag:s19], $0x1000  }
0x26: {  	[sflag:s19] =	ssyncset.done $0x0  }
0x27: {  	s1 =	rddreg [dreg:$0x7];
	[sflag:s19] =	ssyncadd.s32 $0xFFFFF000  }
0x28: {  	[spmem:s1] =	stream.linear.scatter [tilespmem:s18], [sflag:$0x5], $0x1000, $0x38;
	[tilespmem:$0x10B40] =	vst v63  }
0x29: {  	_ =	swait.ge [sflag:s19], $0x1000  }
0x2a: {  	[sflag:s19] =	ssyncset.done $0x0  }
0x2b: {  	s4 =	rddreg [dreg:$0x8];
	[sflag:s19] =	ssyncadd.s32 $0xFFFFF000  }
0x2c: {  	[spmem:s4] =	stream.linear.scatter [tilespmem:s18], [sflag:$0x5], $0x1000, $0x38;
	[tilespmem:$0x10B40] =	vst v63  }
0x2d: {  	_ =	swait.ge [sflag:s19], $0x1000  }
0x2e: {  	[sflag:s19] =	ssyncset.done $0x0  }
0x2f: {  	s7 =	rddreg [dreg:$0x9];
	[sflag:s19] =	ssyncadd.s32 $0xFFFFF000  }
0x30: {  	[spmem:s7] =	stream.linear.scatter [tilespmem:s18], [sflag:$0x5], $0xE20, $0x38;
	[tilespmem:$0x10B40] =	vst v63  }
0x31: {  	s8 =	stileid.u32;
	_ =	swait.ge [sflag:s19], $0xE20  }
0x32: {  	s0 =	sshll.u32 s8, $0x6;
	[sflag:s19] =	ssyncset.done $0x0  }
0x33: {  	s30 =	sor.u32 $0x1C05, s0;
	[sflag:s19] =	ssyncadd.s32 $0xFFFFF1E0  }
0x34: {  	[spmem:s20@s22], [sflag:s30] =	dma.strided [hbm:s11@s23], $0x9C4, s21, $0x4   }
0x35: {  	_ =	swait.ge [sflag:s19], $0x9C4  }
0x36: {  	[sflag:s19] =	ssyncset.done $0x0  }
0x37: {  	s9 =	simm.s32 $0x0;
	[sflag:s19] =	ssyncadd.s32 $0xFFFFF63C  }
0x38: {  	[tilespmem:s9], [sflag:$0x5] =	stream.linear.gather [hbm4b:s12+s9], $0x2700, $0x38;
	[tilespmem:$0x10B40] =	vst v63  }
0x39: {  	_ =	swait.ge [sflag:s19], $0x2700  }
0x3a: {  	[sflag:s19] =	ssyncset.done $0x0  }
0x3b: {  	s10 =	simm.s32 $0x2780;
	[sflag:s19] =	ssyncadd.s32 $0xFFFFD900  }
0x3c: {  	[tilespmem:s10], [sflag:$0x5] =	stream.linear.gather [hbm4b:s13+s9], $0x2700, $0x38;
	[tilespmem:$0x10B40] =	vst v63  }
0x3d: {  	_ =	swait.ge [sflag:s19], $0x2700  }
0x3e: {  	[sflag:s19] =	ssyncset.done $0x0  }
0x3f: {  	s0 =	simm.s32 @!p0 $0x0;
	s1 =	simm.s32 @!p0 $0x2700;
	[sflag:s19] =	ssyncadd.s32 $0xFFFFD900  }
0x40: {  	[tilespmem:s1], [sflag:$0x5] =	stream.linear.gather @!p0 [hbm4b:s14+s0], $0x80, $0x38;
	[tilespmem:$0x10B40] =	vst v63  }
0x41: {  	s1 =	simm.s32 @!p0 $0x5  }
0x42: {  	_ =	swait.ge @!p0 [sflag:s1], $0x80  }
0x43: {  	[sflag:s1] =	ssyncset.done @!p0 $0x0  }
0x44: {  	s4 =	simm.s32 @!p0 $0x4E80;
	[sflag:s1] =	ssyncadd.s32 @!p0 $0xFFFFFF80  }
0x45: {  	[tilespmem:s4], [sflag:$0x5] =	stream.linear.gather @!p0 [hbm4b:s15+s0], $0x80, $0x38;
	[tilespmem:$0x10B40] =	vst v63  }
0x46: {  	_ =	swait.ge @!p0 [sflag:s1], $0x80  }
0x47: {  	[sflag:s1] =	ssyncset.done @!p0 $0x0  }
0x48: {  	[sflag:s1] =	ssyncadd.s32 @!p0 $0xFFFFFF80  }
0x49: {  	s24 =	simm.s32 $0x0;
	p1 =	sle.u32 s5, $0x0;
	[bflag:$0x0] =	sbarrier.arrive $0xFFFF  }
0x4a: {  	[tilespmem:s18], [sflag:$0x1] =	stream.indirect.gather [spmem:s3], $0x20, s24, s25, $0xb8;
	[tilespmem:$0x10B40] =	vst v63  }
0x4b: {  	s26 =	simm.s32 $0x5F00;
	p2 =	sle.u32 s5, $0x1;
	s1 =	simm.s32 @!p1 $0x1  }
0x4c: {  	[tilespmem:s26], [sflag:$0x2] =	stream.indirect.gather [spmem:s3], $0x20, s25, s25, $0xb8;
	[tilespmem:$0x10B40] =	vst v63  }
0x4d: {  	p3 =	sle.u32 s5, $0x2;
	s7 =	simm.s32 @!p1 $0x4F00;
	_ =	swait.ge @!p1 [sflag:s1], $0x1000  }
0x4e: {  	s0 =	simm.s32 @!p0 $0x28;
	s4 =	simm.s32 $0x2780;
	[sflag:s1] =	ssyncset.done @!p1 $0x0  }
0x4f: {  	s0 =	simm.s32 @p0 $0x27;
	[sflag:s1] =	ssyncadd.s32 @!p1 $0xFFFFF000;
	s1 =	simm.s32 @!p1 $0x80  }
0x50: {  	[spmem:s2] =	stream.indirect.scatter.add.f32 @!p1 [tilespmem:s7], [sflag:$0x3], $0x20, s4, s1, $0xb8;
	[tilespmem:$0x10B40] =	vst v63  }
0x51: {  	s8 =	simm.s32 @!p2 $0x2800;
	s31 =	sshll.u32 s0, $0x1;
	s1 =	simm.s32 @!p2 $0x2  }
0x52: {  	s0 =	simm.s32 $0x2;
	s24 =	simm.s32 @!p2 $0x80;
	_ =	swait.ge @!p2 [sflag:s1], $0x1000  }
0x53: {  	s26 =	simm.s32 @!p3 $0x3;
	s4 =	simm.s32 $0x100;
	[sflag:s1] =	ssyncset.done @!p2 $0x0  }
0x54: {  	s7 =	simm.s32 @!p2 $0x5F00;
	p1 =	sne.s32 s31, $0x2;
	[sflag:s1] =	ssyncadd.s32 @!p2 $0xFFFFF000  }
0x55: {  	[spmem:s2] =	stream.indirect.scatter.add.f32 @!p2 [tilespmem:s7], [sflag:$0x4], $0x20, s8, s24, $0xb8;
	[tilespmem:$0x10B40] =	vst v63  }
0x56: {  	s1 =	simm.s32 $0x200;
	s7 =	simm.s32 @!p3 $0x80;
	_ =	swait.ge @!p3 [sflag:s26], $0x1000  }
.Ltmp1:
0x57: {  	p2 =	sle.u32 s5, $0x3;
	[sflag:s26] =	ssyncset.done @!p3 $0x0;
	(pc) =	sbr.rel @!p1 .LBB2_5-.Ltmp1, $4  }
0x58: {  	s8 =	simm.s32 @!p3 $0x4F00;
	[sflag:s26] =	ssyncadd.s32 @!p3 $0xFFFFF000;
	s26 =	simm.s32 @!p2 $0x4  }
0x59: {  	[tilespmem:s8], [sflag:$0x1] =	stream.indirect.gather @!p3 [spmem:s3], $0x20, s4, s7, $0xb8;
	[tilespmem:$0x10B40] =	vst v63  }
0x5a: {  	s24 =	simm.s32 $0x2880;
	s4 =	simm.s32 @!p2 $0x5F00;
	_ =	swait.ge @!p2 [sflag:s26], $0x1000  }
0x5b: {  	s7 =	simm.s32 @!p2 $0x180;
	s8 =	simm.s32 @!p2 $0x80;
	[sflag:s26] =	ssyncset.done @!p2 $0x0  }
.LBB2_4:
0x5c: {  	p3 =	sge.u32 s0, s5;
	[sflag:s26] =	ssyncadd.s32 @!p2 $0xFFFFF000  }
0x5d: {  	s26 =	smov.u32 s0;
	s0 =	sadd.s32 $0x2, s0;
	s9 =	smov.u32 s1  }
0x5e: {  	[tilespmem:s4], [sflag:$0x2] =	stream.indirect.gather @!p2 [spmem:s3], $0x20, s7, s8, $0xb8;
	[tilespmem:$0x10B40] =	vst v63  }
0x5f: {  	s4 =	simm.s32 @!p3 $0x1;
	p1 =	sne.s32 s31, s0  }
0x60: {  	_ =	swait.ge @!p3 [sflag:s4], $0x1000  }
0x61: {  	s7 =	simm.s32 @!p3 $0x4F00;
	s8 =	sadd.s32 $0x1, s26;
	[sflag:s4] =	ssyncset.done @!p3 $0x0  }
0x62: {  	p2 =	sge.u32 s8, s5;
	[sflag:s4] =	ssyncadd.s32 @!p3 $0xFFFFF000;
	s4 =	simm.s32 @!p3 $0x80  }
0x63: {  	[spmem:s2] =	stream.indirect.scatter.add.f32 @!p3 [tilespmem:s7], [sflag:$0x3], $0x20, s24, s4, $0xb8;
	[tilespmem:$0x10B40] =	vst v63  }
0x64: {  	s4 =	simm.s32 @!p2 $0x2  }
0x65: {  	s7 =	simm.s32 @!p2 $0x5F00;
	p3 =	sge.u32 s0, s5;
	_ =	swait.ge @!p2 [sflag:s4], $0x1000  }
0x66: {  	s8 =	sadd.s32 @!p2 $0x80, s24;
	s10 =	simm.s32 @!p2 $0x80;
	[sflag:s4] =	ssyncset.done @!p2 $0x0  }
0x67: {  	s1 =	sadd.s32 $0x100, s1;
	[sflag:s4] =	ssyncadd.s32 @!p2 $0xFFFFF000;
	s4 =	simm.s32 @!p3 $0x3  }
0x68: {  	[spmem:s2] =	stream.indirect.scatter.add.f32 @!p2 [tilespmem:s7], [sflag:$0x4], $0x20, s8, s10, $0xb8;
	[tilespmem:$0x10B40] =	vst v63  }
0x69: {  	s7 =	sadd.s32 $0x3, s26;
	s8 =	simm.s32 @!p3 $0x80;
	_ =	swait.ge @!p3 [sflag:s4], $0x1000  }
.Ltmp2:
0x6a: {  	p2 =	sge.u32 s7, s5;
	[sflag:s4] =	ssyncset.done @!p3 $0x0;
	(pc) =	sbr.rel @p1 .LBB2_4-.Ltmp2, $4  }
0x6b: {  	s26 =	simm.s32 @!p2 $0x4;
	[sflag:s4] =	ssyncadd.s32 @!p3 $0xFFFFF000;
	s4 =	simm.s32 @!p3 $0x4F00  }
0x6c: {  	[tilespmem:s4], [sflag:$0x1] =	stream.indirect.gather @!p3 [spmem:s3], $0x20, s9, s8, $0xb8;
	[tilespmem:$0x10B40] =	vst v63  }
0x6d: {  	s24 =	sadd.s32 $0x100, s24;
	s4 =	simm.s32 @!p2 $0x5F00;
	_ =	swait.ge @!p2 [sflag:s26], $0x1000  }
0x6e: {  	s7 =	sadd.s32 @!p2 $0x80, s9;
	s8 =	simm.s32 @!p2 $0x80;
	[sflag:s26] =	ssyncset.done @!p2 $0x0  }
.LBB2_5:
0x6f: {  	[sflag:s26] =	ssyncadd.s32 @!p2 $0xFFFFF000  }
0x70: {  	[tilespmem:s4], [sflag:$0x2] =	stream.indirect.gather @!p2 [spmem:s3], $0x20, s7, s8, $0xb8;
	[tilespmem:$0x10B40] =	vst v63  }
0x71: {  	_ =	swait.ge [sflag:s28], $0x1000  }
0x72: {  	[sflag:s28] =	ssyncset.done $0x0  }
0x73: {  	[sflag:s28] =	ssyncadd.s32 $0xFFFFF000  }
0x74: {  	_ =	swait.ge [sflag:s22], $0x1000  }
0x75: {  	s29 =	sadd.s32 $0x1, s29;
	[sflag:s22] =	ssyncset.done $0x0  }
0x76: {  	p1 =	sne.s32 s29, s17;
	[sflag:s22] =	ssyncadd.s32 $0xFFFFF000  }
.Ltmp3:
0x77: {  	s0 =	sshrl.u32 s6, $0x3;
	[bflag:$0x0] =	sbarrier.arrive $0xFFFF;
	(pc) =	sbr.rel @p1 .LBB2_1-.Ltmp3, $4  }
0x78: {  	[hbm:s16@s23], [sflag:s30] =	dma.strided [spmem:s0@s22], $0x9C4, s21, $0x4   }
0x79: {  	_ =	swait.ge [sflag:s19], $0x9C4  }
0x7a: {  	[sflag:s19] =	ssyncset.done $0x0  }
0x7b: {  	[sflag:s19] =	ssyncadd.s32 $0xFFFFF63C  }
0x7c: {  	_ =	sfence.sel $0x180000  }
0x7d: {  	[bflag:$0x0] =	sbarrier.arrive $0xFFFF  }
0x7e: {  	_ =	strace $0x90000047  }
0x7f: {  	s0 =	stileid.u32;
	[bflag:$0x2] =	sbarrier.arrive $0xFFFF  }
0x80: {  	p0 =	sne.s32 s0, $0x0;
	s0 =	rddreg [dreg:$0x5]  }
0x81: {  	s0 =	sadd.s32 @!p0 $0x100000, s0  }
0x82: {  	[sflag:s0] =	ssyncadd.tile.s32 @!p0 $0x1;
	_ =	shalt  }
.Lfunc_end2:
_tile_overlayer_lowered:
.L_overlay_start_2:
0x83: {  	(tag) =	ssettag $0x2  }
0x84: {  	s0 =	rddreg [dreg:$0x0];
	s2 =	stileid.u32  }
0x85: {  	s1 =	rddreg [dreg:$0x1];
	p0 =	sne.s32 s2, $0x0  }
0x86: {  	s3 =	rddreg [dreg:$0x2];
	[bflag:$0x3] =	sbarrier.arrive $0xFFFF;
	s2 =	simm.s32 @!p0 $0x1C05  }
0x87: {  	[timem:s3], [sflag:s2] =	dma.local @!p0 [hbm:s0], s1  }
0x88: {  	s0 =	simm.s32 @!p0 $0x5  }
0x89: {  	_ =	swait.ge @!p0 [sflag:s0], s1  }
0x8a: {  	s1 =	ssub.s32 @!p0 $0x0, s1;
	[sflag:s0] =	ssyncset.done @!p0 $0x0  }
0x8b: {  	[sflag:s0] =	ssyncadd.s32 @!p0 s1  }
0x8c: {  	[bflag:$0x3] =	sbarrier.arrive $0xFFFF  }
0x8d: {  	_ =	shalt  }

</sc_bundles>
